<compile_context>
chip_gen: v7x
topology: tpu7x:2x2x1
jax: 0.10.2.dev20260603
libtpu: 0.0.44.dev20260713+nightly
codegen_flags: <defaults>
</compile_context>

<pallas_src>
import functools

import jax
import jax.numpy as jnp
from jax import lax
from jax.experimental import pallas as pl
from jax.experimental.pallas import tpu as pltpu
from jax.experimental.pallas import tpu_sc as plsc

_SEQ_LENGTH = 8192
_D_MODEL = 1024
_BATCH = 4
_SEQ_LEN = 8192

_N_IDX = _BATCH * _SEQ_LEN
_NC, _NS = 2, 16
_NW = _NC * _NS
_PER_W = _N_IDX // _NW
_CHUNK = 8
_STEPS = _PER_W // _CHUNK
_NBUF = 8
_LEAD = 4


def _pe_lookup_body(t_hbm, pe_hbm, out_hbm, idx_v, *bufs):
    rows = bufs[:_NBUF]
    gsems = bufs[_NBUF:2 * _NBUF]
    ssems = bufs[2 * _NBUF:]
    wid = lax.axis_index("s") * _NC + lax.axis_index("c")
    base = wid * _PER_W
    pltpu.sync_copy(t_hbm.at[pl.ds(base, _PER_W)], idx_v)

    def start_gather(c, b):
        pltpu.async_copy(
            pe_hbm.at[idx_v.at[pl.ds(c * _CHUNK, _CHUNK)]], rows[b], gsems[b]
        )

    def start_store(c, b):
        pltpu.async_copy(rows[b], out_hbm.at[pl.ds(base + c * _CHUNK, _CHUNK)],
                         ssems[b])

    def wait_gather(b):
        pltpu.make_async_copy(pe_hbm.at[pl.ds(0, _CHUNK)], rows[b],
                              gsems[b]).wait()

    def wait_store(b):
        pltpu.make_async_copy(rows[b], out_hbm.at[pl.ds(base, _CHUNK)],
                              ssems[b]).wait()

    for j in range(_LEAD):
        start_gather(j, j)

    def outer(k, _):
        for b in range(_NBUF):
            c = k * _NBUF + b
            wait_gather(b)
            start_store(c, b)
            nxt = (b + _LEAD) % _NBUF

            @pl.when(c >= _NBUF - _LEAD)
            def _guard():
                wait_store(nxt)

            @pl.when(c + _LEAD < _STEPS)
            def _prefetch():
                start_gather(c + _LEAD, nxt)
        return _

    lax.fori_loop(0, _STEPS // _NBUF, outer, None)
    for j in range(_STEPS - (_NBUF - _LEAD), _STEPS):
        wait_store(j % _NBUF)


@jax.jit
def _pe_lookup(t_flat, pe):
    mesh = plsc.VectorSubcoreMesh(core_axis_name="c", subcore_axis_name="s")
    f = pl.kernel(
        _pe_lookup_body,
        out_type=jax.ShapeDtypeStruct((_N_IDX, _D_MODEL), jnp.float32),
        mesh=mesh,
        scratch_types=(
            [pltpu.VMEM((_PER_W,), jnp.int32)]
            + [pltpu.VMEM((_CHUNK, _D_MODEL), jnp.float32)] * _NBUF
            + [pltpu.SemaphoreType.DMA] * (2 * _NBUF)
        ),
    )
    return f(t_flat, pe)


def kernel(t, pe):
    out = _pe_lookup(t.reshape(-1), pe)
    return out.reshape(_BATCH, _SEQ_LEN, _D_MODEL)

# --- scband reference (transcript-rebuilt; emitter-appended) ---
"""Pipeline reference for scband-positional-encoding-59356448031623 (READ-ONLY COPY).

The authoritative reference and input builder live on the scoring server;
editing this copy changes nothing except your own understanding.
"""

import jax, jax.numpy as jnp
import numpy as np

SEQ_LENGTH = 8192
D_MODEL = 1024
BATCH = 4
SEQ_LEN = 8192


def _build_pe(seq_length, d_model):
    pos = jnp.linspace(0.0, seq_length - 1, seq_length)[:, None]
    i = jnp.arange(0, d_model // 2, dtype=jnp.float32)[None, :]
    denom = 10000.0 ** (2.0 * i / d_model)
    pe_sin = jnp.sin(pos / denom)
    pe_cos = jnp.cos(pos / denom)
    pe = jnp.stack((pe_sin, pe_cos), 2).reshape(seq_length, d_model)
    return pe


def setup_inputs(seed: int = 0) -> dict:
    key = jax.random.key(seed)
    t = jax.random.randint(key, (BATCH, SEQ_LEN), 0, SEQ_LENGTH, dtype=jnp.int32)
    pe = _build_pe(SEQ_LENGTH, D_MODEL)
    return {"t": t, "pe": pe}


def reference(t, pe):
    # nn.Embedding lookup -> gather rows of the positional-encoding table
    return jnp.take(pe, t, axis=0)

if __name__ == "__main__":
    import jax
    _d = setup_inputs()
    print(jax.jit(kernel)(*tuple(_d.values())))

</pallas_src>

<mosaic_0001>
#map = affine_map<(d0, d1) -> (0)>
#map1 = affine_map<(d0, d1) -> (0, 0)>
module attributes {stable_mosaic.version = 14 : i64} {
  func.func @_pe_lookup_body(%arg0: i32, %arg1: i32, %arg2: memref<32768xi32, #tpu.memory_space<hbm>>, %arg3: memref<8192x1024xf32, #tpu.memory_space<hbm>>, %arg4: memref<32768x1024xf32, #tpu.memory_space<hbm>>, %arg5: memref<1024xi32, #tpu.memory_space<vmem>>, %arg6: memref<8x1024xf32, #tpu.memory_space<vmem>>, %arg7: memref<8x1024xf32, #tpu.memory_space<vmem>>, %arg8: memref<8x1024xf32, #tpu.memory_space<vmem>>, %arg9: memref<8x1024xf32, #tpu.memory_space<vmem>>, %arg10: memref<8x1024xf32, #tpu.memory_space<vmem>>, %arg11: memref<8x1024xf32, #tpu.memory_space<vmem>>, %arg12: memref<8x1024xf32, #tpu.memory_space<vmem>>, %arg13: memref<8x1024xf32, #tpu.memory_space<vmem>>, %arg14: memref<!tpu.dma_semaphore, #tpu.memory_space<semaphore_mem>>, %arg15: memref<!tpu.dma_semaphore, #tpu.memory_space<semaphore_mem>>, %arg16: memref<!tpu.dma_semaphore, #tpu.memory_space<semaphore_mem>>, %arg17: memref<!tpu.dma_semaphore, #tpu.memory_space<semaphore_mem>>, %arg18: memref<!tpu.dma_semaphore, #tpu.memory_space<semaphore_mem>>, %arg19: memref<!tpu.dma_semaphore, #tpu.memory_space<semaphore_mem>>, %arg20: memref<!tpu.dma_semaphore, #tpu.memory_space<semaphore_mem>>, %arg21: memref<!tpu.dma_semaphore, #tpu.memory_space<semaphore_mem>>, %arg22: memref<!tpu.dma_semaphore, #tpu.memory_space<semaphore_mem>>, %arg23: memref<!tpu.dma_semaphore, #tpu.memory_space<semaphore_mem>>, %arg24: memref<!tpu.dma_semaphore, #tpu.memory_space<semaphore_mem>>, %arg25: memref<!tpu.dma_semaphore, #tpu.memory_space<semaphore_mem>>, %arg26: memref<!tpu.dma_semaphore, #tpu.memory_space<semaphore_mem>>, %arg27: memref<!tpu.dma_semaphore, #tpu.memory_space<semaphore_mem>>, %arg28: memref<!tpu.dma_semaphore, #tpu.memory_space<semaphore_mem>>, %arg29: memref<!tpu.dma_semaphore, #tpu.memory_space<semaphore_mem>>) attributes {dimension_semantics = [#tpu.dimension_semantics<core_parallel>, #tpu.dimension_semantics<subcore_parallel>], iteration_bounds = array<i64: 2, 16>, scalar_prefetch = 0 : i64, scratch_operands = 25 : i64, tpu.core_type = #tpu.core_type<sc_vector_subcore>, window_params = [{transform_indices = #map}, {transform_indices = #map1}, {transform_indices = #map1}]} {
    %mul3A = arith.constant 2 : i32
    %mul3A_0 = arith.muli %arg1, %mul3A : i32
    %add3A = arith.addi %mul3A_0, %arg0 : i32
    %mul3A_1 = arith.constant 1024 : i32
    %mul3A_2 = arith.muli %add3A, %mul3A_1 : i32
    "tpu.region"() ({
      %run_scoped3A = tpu.sem_alloc : memref<!tpu.dma_semaphore, #tpu.memory_space<semaphore_mem>>
      %dma_start3A_41 = tpu.memref_slice %arg2[%mul3A_2] : memref<32768xi32, #tpu.memory_space<hbm>> -> memref<1024xi32, #tpu.memory_space<hbm>>
      %dma_start3A_42 = tpu.memref_slice %arg2[%mul3A_2] : memref<32768xi32, #tpu.memory_space<hbm>> -> memref<1024xi32, #tpu.memory_space<hbm>>
      tpu.enqueue_dma source(%dma_start3A_42 : memref<1024xi32, #tpu.memory_space<hbm>>) target(%arg5 : memref<1024xi32, #tpu.memory_space<vmem>>) target_semaphore(%run_scoped3A : memref<!tpu.dma_semaphore, #tpu.memory_space<semaphore_mem>>)
      %dma_wait3A_43 = tpu.memref_slice %arg2[%mul3A_2] : memref<32768xi32, #tpu.memory_space<hbm>> -> memref<1024xi32, #tpu.memory_space<hbm>>
      %dma_wait3A_44 = tpu.memref_slice %arg2[%mul3A_2] : memref<32768xi32, #tpu.memory_space<hbm>> -> memref<1024xi32, #tpu.memory_space<hbm>>
      tpu.wait_dma2 semaphore(%run_scoped3A : memref<!tpu.dma_semaphore, #tpu.memory_space<semaphore_mem>>) src(%dma_wait3A_44 : memref<1024xi32, #tpu.memory_space<hbm>>) dst(%arg5 : memref<1024xi32, #tpu.memory_space<vmem>>)
      tpu.yield
    }) : () -> ()
    %dma_start3A = arith.constant 0 : i32
    %dma_start3A_3 = tpu.memref_slice %arg5[%dma_start3A] : memref<1024xi32, #tpu.memory_space<vmem>> -> memref<8xi32, #tpu.memory_space<vmem>>
    %dma_start3A_4 = arith.constant 0 : i32
    %dma_start3A_5 = arith.constant 0 : i32
    %dma_start3A_6 = tpu.memref_slice %arg3[%dma_start3A_4, %dma_start3A_5] : memref<8192x1024xf32, #tpu.memory_space<hbm>> -> memref<8192x1024xf32, #tpu.memory_space<hbm>>
    tpu.enqueue_indirect_dma source(%dma_start3A_6 : memref<8192x1024xf32, #tpu.memory_space<hbm>>) target(%arg6 : memref<8x1024xf32, #tpu.memory_space<vmem>>) offsets(%dma_start3A_3 : memref<8xi32, #tpu.memory_space<vmem>>) semaphore(%arg14 : memref<!tpu.dma_semaphore, #tpu.memory_space<semaphore_mem>>)
    %dma_start3A_7 = arith.constant 8 : i32
    %dma_start3A_8 = tpu.memref_slice %arg5[%dma_start3A_7] : memref<1024xi32, #tpu.memory_space<vmem>> -> memref<8xi32, #tpu.memory_space<vmem>>
    %dma_start3A_9 = arith.constant 0 : i32
    %dma_start3A_10 = arith.constant 0 : i32
    %dma_start3A_11 = tpu.memref_slice %arg3[%dma_start3A_9, %dma_start3A_10] : memref<8192x1024xf32, #tpu.memory_space<hbm>> -> memref<8192x1024xf32, #tpu.memory_space<hbm>>
    tpu.enqueue_indirect_dma source(%dma_start3A_11 : memref<8192x1024xf32, #tpu.memory_space<hbm>>) target(%arg7 : memref<8x1024xf32, #tpu.memory_space<vmem>>) offsets(%dma_start3A_8 : memref<8xi32, #tpu.memory_space<vmem>>) semaphore(%arg15 : memref<!tpu.dma_semaphore, #tpu.memory_space<semaphore_mem>>)
    %dma_start3A_12 = arith.constant 16 : i32
    %dma_start3A_13 = tpu.memref_slice %arg5[%dma_start3A_12] : memref<1024xi32, #tpu.memory_space<vmem>> -> memref<8xi32, #tpu.memory_space<vmem>>
    %dma_start3A_14 = arith.constant 0 : i32
    %dma_start3A_15 = arith.constant 0 : i32
    %dma_start3A_16 = tpu.memref_slice %arg3[%dma_start3A_14, %dma_start3A_15] : memref<8192x1024xf32, #tpu.memory_space<hbm>> -> memref<8192x1024xf32, #tpu.memory_space<hbm>>
    tpu.enqueue_indirect_dma source(%dma_start3A_16 : memref<8192x1024xf32, #tpu.memory_space<hbm>>) target(%arg8 : memref<8x1024xf32, #tpu.memory_space<vmem>>) offsets(%dma_start3A_13 : memref<8xi32, #tpu.memory_space<vmem>>) semaphore(%arg16 : memref<!tpu.dma_semaphore, #tpu.memory_space<semaphore_mem>>)
    %dma_start3A_17 = arith.constant 24 : i32
    %dma_start3A_18 = tpu.memref_slice %arg5[%dma_start3A_17] : memref<1024xi32, #tpu.memory_space<vmem>> -> memref<8xi32, #tpu.memory_space<vmem>>
    %dma_start3A_19 = arith.constant 0 : i32
    %dma_start3A_20 = arith.constant 0 : i32
    %dma_start3A_21 = tpu.memref_slice %arg3[%dma_start3A_19, %dma_start3A_20] : memref<8192x1024xf32, #tpu.memory_space<hbm>> -> memref<8192x1024xf32, #tpu.memory_space<hbm>>
    tpu.enqueue_indirect_dma source(%dma_start3A_21 : memref<8192x1024xf32, #tpu.memory_space<hbm>>) target(%arg9 : memref<8x1024xf32, #tpu.memory_space<vmem>>) offsets(%dma_start3A_18 : memref<8xi32, #tpu.memory_space<vmem>>) semaphore(%arg17 : memref<!tpu.dma_semaphore, #tpu.memory_space<semaphore_mem>>)
    %scan3A = arith.constant 0 : i32
    %scan3A_22 = arith.constant 16 : i32
    %scan3A_23 = arith.addi %scan3A, %scan3A_22 : i32
    %scan3A_24 = arith.constant 1 : i32
    scf.for %scan3A_41 = %scan3A to %scan3A_23 step %scan3A_24  : i32 {
      %mul3A_42 = arith.constant 8 : i32
      %mul3A_43 = arith.muli %scan3A_41, %mul3A_42 : i32
      %add3A_44 = arith.constant 0 : i32
      %add3A_45 = arith.addi %mul3A_43, %add3A_44 : i32
      %dma_wait3A_46 = arith.constant 0 : i32
      %dma_wait3A_47 = arith.constant 0 : i32
      %dma_wait3A_48 = tpu.memref_slice %arg3[%dma_wait3A_46, %dma_wait3A_47] : memref<8192x1024xf32, #tpu.memory_space<hbm>> -> memref<8x1024xf32, #tpu.memory_space<hbm>>
      %dma_wait3A_49 = arith.constant 0 : i32
      %dma_wait3A_50 = arith.constant 0 : i32
      %dma_wait3A_51 = tpu.memref_slice %arg3[%dma_wait3A_49, %dma_wait3A_50] : memref<8192x1024xf32, #tpu.memory_space<hbm>> -> memref<8x1024xf32, #tpu.memory_space<hbm>>
      tpu.wait_dma2 semaphore(%arg14 : memref<!tpu.dma_semaphore, #tpu.memory_space<semaphore_mem>>) src(%dma_wait3A_51 : memref<8x1024xf32, #tpu.memory_space<hbm>>) dst(%arg6 : memref<8x1024xf32, #tpu.memory_space<vmem>>)
      %mul3A_52 = arith.constant 8 : i32
      %mul3A_53 = arith.muli %add3A_45, %mul3A_52 : i32
      %add3A_54 = arith.addi %mul3A_2, %mul3A_53 : i32
      %dma_start3A_55 = arith.constant 0 : i32
      %dma_start3A_56 = tpu.memref_slice %arg4[%add3A_54, %dma_start3A_55] : memref<32768x1024xf32, #tpu.memory_space<hbm>> -> memref<8x1024xf32, #tpu.memory_space<hbm>>
      %dma_start3A_57 = arith.constant 0 : i32
      %dma_start3A_58 = tpu.memref_slice %arg4[%add3A_54, %dma_start3A_57] : memref<32768x1024xf32, #tpu.memory_space<hbm>> -> memref<8x1024xf32, #tpu.memory_space<hbm>>
      tpu.enqueue_dma source(%arg6 : memref<8x1024xf32, #tpu.memory_space<vmem>>) target(%dma_start3A_58 : memref<8x1024xf32, #tpu.memory_space<hbm>>) target_semaphore(%arg22 : memref<!tpu.dma_semaphore, #tpu.memory_space<semaphore_mem>>)
      %ge3A = arith.constant 4 : i32
      %ge3A_59 = arith.cmpi sge, %add3A_45, %ge3A : i32
      %convert_element_type3A = arith.extui %ge3A_59 : i1 to i32
      %cond3A = arith.constant 0 : i32
      %cond3A_60 = arith.cmpi ne, %convert_element_type3A, %cond3A : i32
      scf.if %cond3A_60 {
        %dma_wait3A_270 = arith.constant 0 : i32
        %dma_wait3A_271 = tpu.memref_slice %arg4[%mul3A_2, %dma_wait3A_270] : memref<32768x1024xf32, #tpu.memory_space<hbm>> -> memref<8x1024xf32, #tpu.memory_space<hbm>>
        %dma_wait3A_272 = arith.constant 0 : i32
        %dma_wait3A_273 = tpu.memref_slice %arg4[%mul3A_2, %dma_wait3A_272] : memref<32768x1024xf32, #tpu.memory_space<hbm>> -> memref<8x1024xf32, #tpu.memory_space<hbm>>
        tpu.wait_dma2 semaphore(%arg26 : memref<!tpu.dma_semaphore, #tpu.memory_space<semaphore_mem>>) src(%arg10 : memref<8x1024xf32, #tpu.memory_space<vmem>>) dst(%dma_wait3A_273 : memref<8x1024xf32, #tpu.memory_space<hbm>>)
      } else {
      }
      %add3A_61 = arith.constant 4 : i32
      %add3A_62 = arith.addi %add3A_45, %add3A_61 : i32
      %lt3A = arith.constant 128 : i32
      %lt3A_63 = arith.cmpi slt, %add3A_62, %lt3A : i32
      %convert_element_type3A_64 = arith.extui %lt3A_63 : i1 to i32
      %cond3A_65 = arith.constant 0 : i32
      %cond3A_66 = arith.cmpi ne, %convert_element_type3A_64, %cond3A_65 : i32
      scf.if %cond3A_66 {
        %add3A_270 = arith.constant 4 : i32
        %add3A_271 = arith.addi %add3A_45, %add3A_270 : i32
        %mul3A_272 = arith.constant 8 : i32
        %mul3A_273 = arith.muli %add3A_271, %mul3A_272 : i32
        %dma_start3A_274 = tpu.memref_slice %arg5[%mul3A_273] : memref<1024xi32, #tpu.memory_space<vmem>> -> memref<8xi32, #tpu.memory_space<vmem>>
        %dma_start3A_275 = arith.constant 0 : i32
        %dma_start3A_276 = arith.constant 0 : i32
        %dma_start3A_277 = tpu.memref_slice %arg3[%dma_start3A_275, %dma_start3A_276] : memref<8192x1024xf32, #tpu.memory_space<hbm>> -> memref<8192x1024xf32, #tpu.memory_space<hbm>>
        tpu.enqueue_indirect_dma source(%dma_start3A_277 : memref<8192x1024xf32, #tpu.memory_space<hbm>>) target(%arg10 : memref<8x1024xf32, #tpu.memory_space<vmem>>) offsets(%dma_start3A_274 : memref<8xi32, #tpu.memory_space<vmem>>) semaphore(%arg18 : memref<!tpu.dma_semaphore, #tpu.memory_space<semaphore_mem>>)
      } else {
      }
      %mul3A_67 = arith.constant 8 : i32
      %mul3A_68 = arith.muli %scan3A_41, %mul3A_67 : i32
      %add3A_69 = arith.constant 1 : i32
      %add3A_70 = arith.addi %mul3A_68, %add3A_69 : i32
      %dma_wait3A_71 = arith.constant 0 : i32
      %dma_wait3A_72 = arith.constant 0 : i32
      %dma_wait3A_73 = tpu.memref_slice %arg3[%dma_wait3A_71, %dma_wait3A_72] : memref<8192x1024xf32, #tpu.memory_space<hbm>> -> memref<8x1024xf32, #tpu.memory_space<hbm>>
      %dma_wait3A_74 = arith.constant 0 : i32
      %dma_wait3A_75 = arith.constant 0 : i32
      %dma_wait3A_76 = tpu.memref_slice %arg3[%dma_wait3A_74, %dma_wait3A_75] : memref<8192x1024xf32, #tpu.memory_space<hbm>> -> memref<8x1024xf32, #tpu.memory_space<hbm>>
      tpu.wait_dma2 semaphore(%arg15 : memref<!tpu.dma_semaphore, #tpu.memory_space<semaphore_mem>>) src(%dma_wait3A_76 : memref<8x1024xf32, #tpu.memory_space<hbm>>) dst(%arg7 : memref<8x1024xf32, #tpu.memory_space<vmem>>)
      %mul3A_77 = arith.constant 8 : i32
      %mul3A_78 = arith.muli %add3A_70, %mul3A_77 : i32
      %add3A_79 = arith.addi %mul3A_2, %mul3A_78 : i32
      %dma_start3A_80 = arith.constant 0 : i32
      %dma_start3A_81 = tpu.memref_slice %arg4[%add3A_79, %dma_start3A_80] : memref<32768x1024xf32, #tpu.memory_space<hbm>> -> memref<8x1024xf32, #tpu.memory_space<hbm>>
      %dma_start3A_82 = arith.constant 0 : i32
      %dma_start3A_83 = tpu.memref_slice %arg4[%add3A_79, %dma_start3A_82] : memref<32768x1024xf32, #tpu.memory_space<hbm>> -> memref<8x1024xf32, #tpu.memory_space<hbm>>
      tpu.enqueue_dma source(%arg7 : memref<8x1024xf32, #tpu.memory_space<vmem>>) target(%dma_start3A_83 : memref<8x1024xf32, #tpu.memory_space<hbm>>) target_semaphore(%arg23 : memref<!tpu.dma_semaphore, #tpu.memory_space<semaphore_mem>>)
      %ge3A_84 = arith.constant 4 : i32
      %ge3A_85 = arith.cmpi sge, %add3A_70, %ge3A_84 : i32
      %convert_element_type3A_86 = arith.extui %ge3A_85 : i1 to i32
      %cond3A_87 = arith.constant 0 : i32
      %cond3A_88 = arith.cmpi ne, %convert_element_type3A_86, %cond3A_87 : i32
      scf.if %cond3A_88 {
        %dma_wait3A_270 = arith.constant 0 : i32
        %dma_wait3A_271 = tpu.memref_slice %arg4[%mul3A_2, %dma_wait3A_270] : memref<32768x1024xf32, #tpu.memory_space<hbm>> -> memref<8x1024xf32, #tpu.memory_space<hbm>>
        %dma_wait3A_272 = arith.constant 0 : i32
        %dma_wait3A_273 = tpu.memref_slice %arg4[%mul3A_2, %dma_wait3A_272] : memref<32768x1024xf32, #tpu.memory_space<hbm>> -> memref<8x1024xf32, #tpu.memory_space<hbm>>
        tpu.wait_dma2 semaphore(%arg27 : memref<!tpu.dma_semaphore, #tpu.memory_space<semaphore_mem>>) src(%arg11 : memref<8x1024xf32, #tpu.memory_space<vmem>>) dst(%dma_wait3A_273 : memref<8x1024xf32, #tpu.memory_space<hbm>>)
      } else {
      }
      %add3A_89 = arith.constant 4 : i32
      %add3A_90 = arith.addi %add3A_70, %add3A_89 : i32
      %lt3A_91 = arith.constant 128 : i32
      %lt3A_92 = arith.cmpi slt, %add3A_90, %lt3A_91 : i32
      %convert_element_type3A_93 = arith.extui %lt3A_92 : i1 to i32
      %cond3A_94 = arith.constant 0 : i32
      %cond3A_95 = arith.cmpi ne, %convert_element_type3A_93, %cond3A_94 : i32
      scf.if %cond3A_95 {
        %add3A_270 = arith.constant 4 : i32
        %add3A_271 = arith.addi %add3A_70, %add3A_270 : i32
        %mul3A_272 = arith.constant 8 : i32
        %mul3A_273 = arith.muli %add3A_271, %mul3A_272 : i32
        %dma_start3A_274 = tpu.memref_slice %arg5[%mul3A_273] : memref<1024xi32, #tpu.memory_space<vmem>> -> memref<8xi32, #tpu.memory_space<vmem>>
        %dma_start3A_275 = arith.constant 0 : i32
        %dma_start3A_276 = arith.constant 0 : i32
        %dma_start3A_277 = tpu.memref_slice %arg3[%dma_start3A_275, %dma_start3A_276] : memref<8192x1024xf32, #tpu.memory_space<hbm>> -> memref<8192x1024xf32, #tpu.memory_space<hbm>>
        tpu.enqueue_indirect_dma source(%dma_start3A_277 : memref<8192x1024xf32, #tpu.memory_space<hbm>>) target(%arg11 : memref<8x1024xf32, #tpu.memory_space<vmem>>) offsets(%dma_start3A_274 : memref<8xi32, #tpu.memory_space<vmem>>) semaphore(%arg19 : memref<!tpu.dma_semaphore, #tpu.memory_space<semaphore_mem>>)
      } else {
      }
      %mul3A_96 = arith.constant 8 : i32
      %mul3A_97 = arith.muli %scan3A_41, %mul3A_96 : i32
      %add3A_98 = arith.constant 2 : i32
      %add3A_99 = arith.addi %mul3A_97, %add3A_98 : i32
      %dma_wait3A_100 = arith.constant 0 : i32
      %dma_wait3A_101 = arith.constant 0 : i32
      %dma_wait3A_102 = tpu.memref_slice %arg3[%dma_wait3A_100, %dma_wait3A_101] : memref<8192x1024xf32, #tpu.memory_space<hbm>> -> memref<8x1024xf32, #tpu.memory_space<hbm>>
      %dma_wait3A_103 = arith.constant 0 : i32
      %dma_wait3A_104 = arith.constant 0 : i32
      %dma_wait3A_105 = tpu.memref_slice %arg3[%dma_wait3A_103, %dma_wait3A_104] : memref<8192x1024xf32, #tpu.memory_space<hbm>> -> memref<8x1024xf32, #tpu.memory_space<hbm>>
      tpu.wait_dma2 semaphore(%arg16 : memref<!tpu.dma_semaphore, #tpu.memory_space<semaphore_mem>>) src(%dma_wait3A_105 : memref<8x1024xf32, #tpu.memory_space<hbm>>) dst(%arg8 : memref<8x1024xf32, #tpu.memory_space<vmem>>)
      %mul3A_106 = arith.constant 8 : i32
      %mul3A_107 = arith.muli %add3A_99, %mul3A_106 : i32
      %add3A_108 = arith.addi %mul3A_2, %mul3A_107 : i32
      %dma_start3A_109 = arith.constant 0 : i32
      %dma_start3A_110 = tpu.memref_slice %arg4[%add3A_108, %dma_start3A_109] : memref<32768x1024xf32, #tpu.memory_space<hbm>> -> memref<8x1024xf32, #tpu.memory_space<hbm>>
      %dma_start3A_111 = arith.constant 0 : i32
      %dma_start3A_112 = tpu.memref_slice %arg4[%add3A_108, %dma_start3A_111] : memref<32768x1024xf32, #tpu.memory_space<hbm>> -> memref<8x1024xf32, #tpu.memory_space<hbm>>
      tpu.enqueue_dma source(%arg8 : memref<8x1024xf32, #tpu.memory_space<vmem>>) target(%dma_start3A_112 : memref<8x1024xf32, #tpu.memory_space<hbm>>) target_semaphore(%arg24 : memref<!tpu.dma_semaphore, #tpu.memory_space<semaphore_mem>>)
      %ge3A_113 = arith.constant 4 : i32
      %ge3A_114 = arith.cmpi sge, %add3A_99, %ge3A_113 : i32
      %convert_element_type3A_115 = arith.extui %ge3A_114 : i1 to i32
      %cond3A_116 = arith.constant 0 : i32
      %cond3A_117 = arith.cmpi ne, %convert_element_type3A_115, %cond3A_116 : i32
      scf.if %cond3A_117 {
        %dma_wait3A_270 = arith.constant 0 : i32
        %dma_wait3A_271 = tpu.memref_slice %arg4[%mul3A_2, %dma_wait3A_270] : memref<32768x1024xf32, #tpu.memory_space<hbm>> -> memref<8x1024xf32, #tpu.memory_space<hbm>>
        %dma_wait3A_272 = arith.constant 0 : i32
        %dma_wait3A_273 = tpu.memref_slice %arg4[%mul3A_2, %dma_wait3A_272] : memref<32768x1024xf32, #tpu.memory_space<hbm>> -> memref<8x1024xf32, #tpu.memory_space<hbm>>
        tpu.wait_dma2 semaphore(%arg28 : memref<!tpu.dma_semaphore, #tpu.memory_space<semaphore_mem>>) src(%arg12 : memref<8x1024xf32, #tpu.memory_space<vmem>>) dst(%dma_wait3A_273 : memref<8x1024xf32, #tpu.memory_space<hbm>>)
      } else {
      }
      %add3A_118 = arith.constant 4 : i32
      %add3A_119 = arith.addi %add3A_99, %add3A_118 : i32
      %lt3A_120 = arith.constant 128 : i32
      %lt3A_121 = arith.cmpi slt, %add3A_119, %lt3A_120 : i32
      %convert_element_type3A_122 = arith.extui %lt3A_121 : i1 to i32
      %cond3A_123 = arith.constant 0 : i32
      %cond3A_124 = arith.cmpi ne, %convert_element_type3A_122, %cond3A_123 : i32
      scf.if %cond3A_124 {
        %add3A_270 = arith.constant 4 : i32
        %add3A_271 = arith.addi %add3A_99, %add3A_270 : i32
        %mul3A_272 = arith.constant 8 : i32
        %mul3A_273 = arith.muli %add3A_271, %mul3A_272 : i32
        %dma_start3A_274 = tpu.memref_slice %arg5[%mul3A_273] : memref<1024xi32, #tpu.memory_space<vmem>> -> memref<8xi32, #tpu.memory_space<vmem>>
        %dma_start3A_275 = arith.constant 0 : i32
        %dma_start3A_276 = arith.constant 0 : i32
        %dma_start3A_277 = tpu.memref_slice %arg3[%dma_start3A_275, %dma_start3A_276] : memref<8192x1024xf32, #tpu.memory_space<hbm>> -> memref<8192x1024xf32, #tpu.memory_space<hbm>>
        tpu.enqueue_indirect_dma source(%dma_start3A_277 : memref<8192x1024xf32, #tpu.memory_space<hbm>>) target(%arg12 : memref<8x1024xf32, #tpu.memory_space<vmem>>) offsets(%dma_start3A_274 : memref<8xi32, #tpu.memory_space<vmem>>) semaphore(%arg20 : memref<!tpu.dma_semaphore, #tpu.memory_space<semaphore_mem>>)
      } else {
      }
      %mul3A_125 = arith.constant 8 : i32
      %mul3A_126 = arith.muli %scan3A_41, %mul3A_125 : i32
      %add3A_127 = arith.constant 3 : i32
      %add3A_128 = arith.addi %mul3A_126, %add3A_127 : i32
      %dma_wait3A_129 = arith.constant 0 : i32
      %dma_wait3A_130 = arith.constant 0 : i32
      %dma_wait3A_131 = tpu.memref_slice %arg3[%dma_wait3A_129, %dma_wait3A_130] : memref<8192x1024xf32, #tpu.memory_space<hbm>> -> memref<8x1024xf32, #tpu.memory_space<hbm>>
      %dma_wait3A_132 = arith.constant 0 : i32
      %dma_wait3A_133 = arith.constant 0 : i32
      %dma_wait3A_134 = tpu.memref_slice %arg3[%dma_wait3A_132, %dma_wait3A_133] : memref<8192x1024xf32, #tpu.memory_space<hbm>> -> memref<8x1024xf32, #tpu.memory_space<hbm>>
      tpu.wait_dma2 semaphore(%arg17 : memref<!tpu.dma_semaphore, #tpu.memory_space<semaphore_mem>>) src(%dma_wait3A_134 : memref<8x1024xf32, #tpu.memory_space<hbm>>) dst(%arg9 : memref<8x1024xf32, #tpu.memory_space<vmem>>)
      %mul3A_135 = arith.constant 8 : i32
      %mul3A_136 = arith.muli %add3A_128, %mul3A_135 : i32
      %add3A_137 = arith.addi %mul3A_2, %mul3A_136 : i32
      %dma_start3A_138 = arith.constant 0 : i32
      %dma_start3A_139 = tpu.memref_slice %arg4[%add3A_137, %dma_start3A_138] : memref<32768x1024xf32, #tpu.memory_space<hbm>> -> memref<8x1024xf32, #tpu.memory_space<hbm>>
      %dma_start3A_140 = arith.constant 0 : i32
      %dma_start3A_141 = tpu.memref_slice %arg4[%add3A_137, %dma_start3A_140] : memref<32768x1024xf32, #tpu.memory_space<hbm>> -> memref<8x1024xf32, #tpu.memory_space<hbm>>
      tpu.enqueue_dma source(%arg9 : memref<8x1024xf32, #tpu.memory_space<vmem>>) target(%dma_start3A_141 : memref<8x1024xf32, #tpu.memory_space<hbm>>) target_semaphore(%arg25 : memref<!tpu.dma_semaphore, #tpu.memory_space<semaphore_mem>>)
      %ge3A_142 = arith.constant 4 : i32
      %ge3A_143 = arith.cmpi sge, %add3A_128, %ge3A_142 : i32
      %convert_element_type3A_144 = arith.extui %ge3A_143 : i1 to i32
      %cond3A_145 = arith.constant 0 : i32
      %cond3A_146 = arith.cmpi ne, %convert_element_type3A_144, %cond3A_145 : i32
      scf.if %cond3A_146 {
        %dma_wait3A_270 = arith.constant 0 : i32
        %dma_wait3A_271 = tpu.memref_slice %arg4[%mul3A_2, %dma_wait3A_270] : memref<32768x1024xf32, #tpu.memory_space<hbm>> -> memref<8x1024xf32, #tpu.memory_space<hbm>>
        %dma_wait3A_272 = arith.constant 0 : i32
        %dma_wait3A_273 = tpu.memref_slice %arg4[%mul3A_2, %dma_wait3A_272] : memref<32768x1024xf32, #tpu.memory_space<hbm>> -> memref<8x1024xf32, #tpu.memory_space<hbm>>
        tpu.wait_dma2 semaphore(%arg29 : memref<!tpu.dma_semaphore, #tpu.memory_space<semaphore_mem>>) src(%arg13 : memref<8x1024xf32, #tpu.memory_space<vmem>>) dst(%dma_wait3A_273 : memref<8x1024xf32, #tpu.memory_space<hbm>>)
      } else {
      }
      %add3A_147 = arith.constant 4 : i32
      %add3A_148 = arith.addi %add3A_128, %add3A_147 : i32
      %lt3A_149 = arith.constant 128 : i32
      %lt3A_150 = arith.cmpi slt, %add3A_148, %lt3A_149 : i32
      %convert_element_type3A_151 = arith.extui %lt3A_150 : i1 to i32
      %cond3A_152 = arith.constant 0 : i32
      %cond3A_153 = arith.cmpi ne, %convert_element_type3A_151, %cond3A_152 : i32
      scf.if %cond3A_153 {
        %add3A_270 = arith.constant 4 : i32
        %add3A_271 = arith.addi %add3A_128, %add3A_270 : i32
        %mul3A_272 = arith.constant 8 : i32
        %mul3A_273 = arith.muli %add3A_271, %mul3A_272 : i32
        %dma_start3A_274 = tpu.memref_slice %arg5[%mul3A_273] : memref<1024xi32, #tpu.memory_space<vmem>> -> memref<8xi32, #tpu.memory_space<vmem>>
        %dma_start3A_275 = arith.constant 0 : i32
        %dma_start3A_276 = arith.constant 0 : i32
        %dma_start3A_277 = tpu.memref_slice %arg3[%dma_start3A_275, %dma_start3A_276] : memref<8192x1024xf32, #tpu.memory_space<hbm>> -> memref<8192x1024xf32, #tpu.memory_space<hbm>>
        tpu.enqueue_indirect_dma source(%dma_start3A_277 : memref<8192x1024xf32, #tpu.memory_space<hbm>>) target(%arg13 : memref<8x1024xf32, #tpu.memory_space<vmem>>) offsets(%dma_start3A_274 : memref<8xi32, #tpu.memory_space<vmem>>) semaphore(%arg21 : memref<!tpu.dma_semaphore, #tpu.memory_space<semaphore_mem>>)
      } else {
      }
      %mul3A_154 = arith.constant 8 : i32
      %mul3A_155 = arith.muli %scan3A_41, %mul3A_154 : i32
      %add3A_156 = arith.constant 4 : i32
      %add3A_157 = arith.addi %mul3A_155, %add3A_156 : i32
      %dma_wait3A_158 = arith.constant 0 : i32
      %dma_wait3A_159 = arith.constant 0 : i32
      %dma_wait3A_160 = tpu.memref_slice %arg3[%dma_wait3A_158, %dma_wait3A_159] : memref<8192x1024xf32, #tpu.memory_space<hbm>> -> memref<8x1024xf32, #tpu.memory_space<hbm>>
      %dma_wait3A_161 = arith.constant 0 : i32
      %dma_wait3A_162 = arith.constant 0 : i32
      %dma_wait3A_163 = tpu.memref_slice %arg3[%dma_wait3A_161, %dma_wait3A_162] : memref<8192x1024xf32, #tpu.memory_space<hbm>> -> memref<8x1024xf32, #tpu.memory_space<hbm>>
      tpu.wait_dma2 semaphore(%arg18 : memref<!tpu.dma_semaphore, #tpu.memory_space<semaphore_mem>>) src(%dma_wait3A_163 : memref<8x1024xf32, #tpu.memory_space<hbm>>) dst(%arg10 : memref<8x1024xf32, #tpu.memory_space<vmem>>)
      %mul3A_164 = arith.constant 8 : i32
      %mul3A_165 = arith.muli %add3A_157, %mul3A_164 : i32
      %add3A_166 = arith.addi %mul3A_2, %mul3A_165 : i32
      %dma_start3A_167 = arith.constant 0 : i32
      %dma_start3A_168 = tpu.memref_slice %arg4[%add3A_166, %dma_start3A_167] : memref<32768x1024xf32, #tpu.memory_space<hbm>> -> memref<8x1024xf32, #tpu.memory_space<hbm>>
      %dma_start3A_169 = arith.constant 0 : i32
      %dma_start3A_170 = tpu.memref_slice %arg4[%add3A_166, %dma_start3A_169] : memref<32768x1024xf32, #tpu.memory_space<hbm>> -> memref<8x1024xf32, #tpu.memory_space<hbm>>
      tpu.enqueue_dma source(%arg10 : memref<8x1024xf32, #tpu.memory_space<vmem>>) target(%dma_start3A_170 : memref<8x1024xf32, #tpu.memory_space<hbm>>) target_semaphore(%arg26 : memref<!tpu.dma_semaphore, #tpu.memory_space<semaphore_mem>>)
      %ge3A_171 = arith.constant 4 : i32
      %ge3A_172 = arith.cmpi sge, %add3A_157, %ge3A_171 : i32
      %convert_element_type3A_173 = arith.extui %ge3A_172 : i1 to i32
      %cond3A_174 = arith.constant 0 : i32
      %cond3A_175 = arith.cmpi ne, %convert_element_type3A_173, %cond3A_174 : i32
      scf.if %cond3A_175 {
        %dma_wait3A_270 = arith.constant 0 : i32
        %dma_wait3A_271 = tpu.memref_slice %arg4[%mul3A_2, %dma_wait3A_270] : memref<32768x1024xf32, #tpu.memory_space<hbm>> -> memref<8x1024xf32, #tpu.memory_space<hbm>>
        %dma_wait3A_272 = arith.constant 0 : i32
        %dma_wait3A_273 = tpu.memref_slice %arg4[%mul3A_2, %dma_wait3A_272] : memref<32768x1024xf32, #tpu.memory_space<hbm>> -> memref<8x1024xf32, #tpu.memory_space<hbm>>
        tpu.wait_dma2 semaphore(%arg22 : memref<!tpu.dma_semaphore, #tpu.memory_space<semaphore_mem>>) src(%arg6 : memref<8x1024xf32, #tpu.memory_space<vmem>>) dst(%dma_wait3A_273 : memref<8x1024xf32, #tpu.memory_space<hbm>>)
      } else {
      }
      %add3A_176 = arith.constant 4 : i32
      %add3A_177 = arith.addi %add3A_157, %add3A_176 : i32
      %lt3A_178 = arith.constant 128 : i32
      %lt3A_179 = arith.cmpi slt, %add3A_177, %lt3A_178 : i32
      %convert_element_type3A_180 = arith.extui %lt3A_179 : i1 to i32
      %cond3A_181 = arith.constant 0 : i32
      %cond3A_182 = arith.cmpi ne, %convert_element_type3A_180, %cond3A_181 : i32
      scf.if %cond3A_182 {
        %add3A_270 = arith.constant 4 : i32
        %add3A_271 = arith.addi %add3A_157, %add3A_270 : i32
        %mul3A_272 = arith.constant 8 : i32
        %mul3A_273 = arith.muli %add3A_271, %mul3A_272 : i32
        %dma_start3A_274 = tpu.memref_slice %arg5[%mul3A_273] : memref<1024xi32, #tpu.memory_space<vmem>> -> memref<8xi32, #tpu.memory_space<vmem>>
        %dma_start3A_275 = arith.constant 0 : i32
        %dma_start3A_276 = arith.constant 0 : i32
        %dma_start3A_277 = tpu.memref_slice %arg3[%dma_start3A_275, %dma_start3A_276] : memref<8192x1024xf32, #tpu.memory_space<hbm>> -> memref<8192x1024xf32, #tpu.memory_space<hbm>>
        tpu.enqueue_indirect_dma source(%dma_start3A_277 : memref<8192x1024xf32, #tpu.memory_space<hbm>>) target(%arg6 : memref<8x1024xf32, #tpu.memory_space<vmem>>) offsets(%dma_start3A_274 : memref<8xi32, #tpu.memory_space<vmem>>) semaphore(%arg14 : memref<!tpu.dma_semaphore, #tpu.memory_space<semaphore_mem>>)
      } else {
      }
      %mul3A_183 = arith.constant 8 : i32
      %mul3A_184 = arith.muli %scan3A_41, %mul3A_183 : i32
      %add3A_185 = arith.constant 5 : i32
      %add3A_186 = arith.addi %mul3A_184, %add3A_185 : i32
      %dma_wait3A_187 = arith.constant 0 : i32
      %dma_wait3A_188 = arith.constant 0 : i32
      %dma_wait3A_189 = tpu.memref_slice %arg3[%dma_wait3A_187, %dma_wait3A_188] : memref<8192x1024xf32, #tpu.memory_space<hbm>> -> memref<8x1024xf32, #tpu.memory_space<hbm>>
      %dma_wait3A_190 = arith.constant 0 : i32
      %dma_wait3A_191 = arith.constant 0 : i32
      %dma_wait3A_192 = tpu.memref_slice %arg3[%dma_wait3A_190, %dma_wait3A_191] : memref<8192x1024xf32, #tpu.memory_space<hbm>> -> memref<8x1024xf32, #tpu.memory_space<hbm>>
      tpu.wait_dma2 semaphore(%arg19 : memref<!tpu.dma_semaphore, #tpu.memory_space<semaphore_mem>>) src(%dma_wait3A_192 : memref<8x1024xf32, #tpu.memory_space<hbm>>) dst(%arg11 : memref<8x1024xf32, #tpu.memory_space<vmem>>)
      %mul3A_193 = arith.constant 8 : i32
      %mul3A_194 = arith.muli %add3A_186, %mul3A_193 : i32
      %add3A_195 = arith.addi %mul3A_2, %mul3A_194 : i32
      %dma_start3A_196 = arith.constant 0 : i32
      %dma_start3A_197 = tpu.memref_slice %arg4[%add3A_195, %dma_start3A_196] : memref<32768x1024xf32, #tpu.memory_space<hbm>> -> memref<8x1024xf32, #tpu.memory_space<hbm>>
      %dma_start3A_198 = arith.constant 0 : i32
      %dma_start3A_199 = tpu.memref_slice %arg4[%add3A_195, %dma_start3A_198] : memref<32768x1024xf32, #tpu.memory_space<hbm>> -> memref<8x1024xf32, #tpu.memory_space<hbm>>
      tpu.enqueue_dma source(%arg11 : memref<8x1024xf32, #tpu.memory_space<vmem>>) target(%dma_start3A_199 : memref<8x1024xf32, #tpu.memory_space<hbm>>) target_semaphore(%arg27 : memref<!tpu.dma_semaphore, #tpu.memory_space<semaphore_mem>>)
      %ge3A_200 = arith.constant 4 : i32
      %ge3A_201 = arith.cmpi sge, %add3A_186, %ge3A_200 : i32
      %convert_element_type3A_202 = arith.extui %ge3A_201 : i1 to i32
      %cond3A_203 = arith.constant 0 : i32
      %cond3A_204 = arith.cmpi ne, %convert_element_type3A_202, %cond3A_203 : i32
      scf.if %cond3A_204 {
        %dma_wait3A_270 = arith.constant 0 : i32
        %dma_wait3A_271 = tpu.memref_slice %arg4[%mul3A_2, %dma_wait3A_270] : memref<32768x1024xf32, #tpu.memory_space<hbm>> -> memref<8x1024xf32, #tpu.memory_space<hbm>>
        %dma_wait3A_272 = arith.constant 0 : i32
        %dma_wait3A_273 = tpu.memref_slice %arg4[%mul3A_2, %dma_wait3A_272] : memref<32768x1024xf32, #tpu.memory_space<hbm>> -> memref<8x1024xf32, #tpu.memory_space<hbm>>
        tpu.wait_dma2 semaphore(%arg23 : memref<!tpu.dma_semaphore, #tpu.memory_space<semaphore_mem>>) src(%arg7 : memref<8x1024xf32, #tpu.memory_space<vmem>>) dst(%dma_wait3A_273 : memref<8x1024xf32, #tpu.memory_space<hbm>>)
      } else {
      }
      %add3A_205 = arith.constant 4 : i32
      %add3A_206 = arith.addi %add3A_186, %add3A_205 : i32
      %lt3A_207 = arith.constant 128 : i32
      %lt3A_208 = arith.cmpi slt, %add3A_206, %lt3A_207 : i32
      %convert_element_type3A_209 = arith.extui %lt3A_208 : i1 to i32
      %cond3A_210 = arith.constant 0 : i32
      %cond3A_211 = arith.cmpi ne, %convert_element_type3A_209, %cond3A_210 : i32
      scf.if %cond3A_211 {
        %add3A_270 = arith.constant 4 : i32
        %add3A_271 = arith.addi %add3A_186, %add3A_270 : i32
        %mul3A_272 = arith.constant 8 : i32
        %mul3A_273 = arith.muli %add3A_271, %mul3A_272 : i32
        %dma_start3A_274 = tpu.memref_slice %arg5[%mul3A_273] : memref<1024xi32, #tpu.memory_space<vmem>> -> memref<8xi32, #tpu.memory_space<vmem>>
        %dma_start3A_275 = arith.constant 0 : i32
        %dma_start3A_276 = arith.constant 0 : i32
        %dma_start3A_277 = tpu.memref_slice %arg3[%dma_start3A_275, %dma_start3A_276] : memref<8192x1024xf32, #tpu.memory_space<hbm>> -> memref<8192x1024xf32, #tpu.memory_space<hbm>>
        tpu.enqueue_indirect_dma source(%dma_start3A_277 : memref<8192x1024xf32, #tpu.memory_space<hbm>>) target(%arg7 : memref<8x1024xf32, #tpu.memory_space<vmem>>) offsets(%dma_start3A_274 : memref<8xi32, #tpu.memory_space<vmem>>) semaphore(%arg15 : memref<!tpu.dma_semaphore, #tpu.memory_space<semaphore_mem>>)
      } else {
      }
      %mul3A_212 = arith.constant 8 : i32
      %mul3A_213 = arith.muli %scan3A_41, %mul3A_212 : i32
      %add3A_214 = arith.constant 6 : i32
      %add3A_215 = arith.addi %mul3A_213, %add3A_214 : i32
      %dma_wait3A_216 = arith.constant 0 : i32
      %dma_wait3A_217 = arith.constant 0 : i32
      %dma_wait3A_218 = tpu.memref_slice %arg3[%dma_wait3A_216, %dma_wait3A_217] : memref<8192x1024xf32, #tpu.memory_space<hbm>> -> memref<8x1024xf32, #tpu.memory_space<hbm>>
      %dma_wait3A_219 = arith.constant 0 : i32
      %dma_wait3A_220 = arith.constant 0 : i32
      %dma_wait3A_221 = tpu.memref_slice %arg3[%dma_wait3A_219, %dma_wait3A_220] : memref<8192x1024xf32, #tpu.memory_space<hbm>> -> memref<8x1024xf32, #tpu.memory_space<hbm>>
      tpu.wait_dma2 semaphore(%arg20 : memref<!tpu.dma_semaphore, #tpu.memory_space<semaphore_mem>>) src(%dma_wait3A_221 : memref<8x1024xf32, #tpu.memory_space<hbm>>) dst(%arg12 : memref<8x1024xf32, #tpu.memory_space<vmem>>)
      %mul3A_222 = arith.constant 8 : i32
      %mul3A_223 = arith.muli %add3A_215, %mul3A_222 : i32
      %add3A_224 = arith.addi %mul3A_2, %mul3A_223 : i32
      %dma_start3A_225 = arith.constant 0 : i32
      %dma_start3A_226 = tpu.memref_slice %arg4[%add3A_224, %dma_start3A_225] : memref<32768x1024xf32, #tpu.memory_space<hbm>> -> memref<8x1024xf32, #tpu.memory_space<hbm>>
      %dma_start3A_227 = arith.constant 0 : i32
      %dma_start3A_228 = tpu.memref_slice %arg4[%add3A_224, %dma_start3A_227] : memref<32768x1024xf32, #tpu.memory_space<hbm>> -> memref<8x1024xf32, #tpu.memory_space<hbm>>
      tpu.enqueue_dma source(%arg12 : memref<8x1024xf32, #tpu.memory_space<vmem>>) target(%dma_start3A_228 : memref<8x1024xf32, #tpu.memory_space<hbm>>) target_semaphore(%arg28 : memref<!tpu.dma_semaphore, #tpu.memory_space<semaphore_mem>>)
      %ge3A_229 = arith.constant 4 : i32
      %ge3A_230 = arith.cmpi sge, %add3A_215, %ge3A_229 : i32
      %convert_element_type3A_231 = arith.extui %ge3A_230 : i1 to i32
      %cond3A_232 = arith.constant 0 : i32
      %cond3A_233 = arith.cmpi ne, %convert_element_type3A_231, %cond3A_232 : i32
      scf.if %cond3A_233 {
        %dma_wait3A_270 = arith.constant 0 : i32
        %dma_wait3A_271 = tpu.memref_slice %arg4[%mul3A_2, %dma_wait3A_270] : memref<32768x1024xf32, #tpu.memory_space<hbm>> -> memref<8x1024xf32, #tpu.memory_space<hbm>>
        %dma_wait3A_272 = arith.constant 0 : i32
        %dma_wait3A_273 = tpu.memref_slice %arg4[%mul3A_2, %dma_wait3A_272] : memref<32768x1024xf32, #tpu.memory_space<hbm>> -> memref<8x1024xf32, #tpu.memory_space<hbm>>
        tpu.wait_dma2 semaphore(%arg24 : memref<!tpu.dma_semaphore, #tpu.memory_space<semaphore_mem>>) src(%arg8 : memref<8x1024xf32, #tpu.memory_space<vmem>>) dst(%dma_wait3A_273 : memref<8x1024xf32, #tpu.memory_space<hbm>>)
      } else {
      }
      %add3A_234 = arith.constant 4 : i32
      %add3A_235 = arith.addi %add3A_215, %add3A_234 : i32
      %lt3A_236 = arith.constant 128 : i32
      %lt3A_237 = arith.cmpi slt, %add3A_235, %lt3A_236 : i32
      %convert_element_type3A_238 = arith.extui %lt3A_237 : i1 to i32
      %cond3A_239 = arith.constant 0 : i32
      %cond3A_240 = arith.cmpi ne, %convert_element_type3A_238, %cond3A_239 : i32
      scf.if %cond3A_240 {
        %add3A_270 = arith.constant 4 : i32
        %add3A_271 = arith.addi %add3A_215, %add3A_270 : i32
        %mul3A_272 = arith.constant 8 : i32
        %mul3A_273 = arith.muli %add3A_271, %mul3A_272 : i32
        %dma_start3A_274 = tpu.memref_slice %arg5[%mul3A_273] : memref<1024xi32, #tpu.memory_space<vmem>> -> memref<8xi32, #tpu.memory_space<vmem>>
        %dma_start3A_275 = arith.constant 0 : i32
        %dma_start3A_276 = arith.constant 0 : i32
        %dma_start3A_277 = tpu.memref_slice %arg3[%dma_start3A_275, %dma_start3A_276] : memref<8192x1024xf32, #tpu.memory_space<hbm>> -> memref<8192x1024xf32, #tpu.memory_space<hbm>>
        tpu.enqueue_indirect_dma source(%dma_start3A_277 : memref<8192x1024xf32, #tpu.memory_space<hbm>>) target(%arg8 : memref<8x1024xf32, #tpu.memory_space<vmem>>) offsets(%dma_start3A_274 : memref<8xi32, #tpu.memory_space<vmem>>) semaphore(%arg16 : memref<!tpu.dma_semaphore, #tpu.memory_space<semaphore_mem>>)
      } else {
      }
      %mul3A_241 = arith.constant 8 : i32
      %mul3A_242 = arith.muli %scan3A_41, %mul3A_241 : i32
      %add3A_243 = arith.constant 7 : i32
      %add3A_244 = arith.addi %mul3A_242, %add3A_243 : i32
      %dma_wait3A_245 = arith.constant 0 : i32
      %dma_wait3A_246 = arith.constant 0 : i32
      %dma_wait3A_247 = tpu.memref_slice %arg3[%dma_wait3A_245, %dma_wait3A_246] : memref<8192x1024xf32, #tpu.memory_space<hbm>> -> memref<8x1024xf32, #tpu.memory_space<hbm>>
      %dma_wait3A_248 = arith.constant 0 : i32
      %dma_wait3A_249 = arith.constant 0 : i32
      %dma_wait3A_250 = tpu.memref_slice %arg3[%dma_wait3A_248, %dma_wait3A_249] : memref<8192x1024xf32, #tpu.memory_space<hbm>> -> memref<8x1024xf32, #tpu.memory_space<hbm>>
      tpu.wait_dma2 semaphore(%arg21 : memref<!tpu.dma_semaphore, #tpu.memory_space<semaphore_mem>>) src(%dma_wait3A_250 : memref<8x1024xf32, #tpu.memory_space<hbm>>) dst(%arg13 : memref<8x1024xf32, #tpu.memory_space<vmem>>)
      %mul3A_251 = arith.constant 8 : i32
      %mul3A_252 = arith.muli %add3A_244, %mul3A_251 : i32
      %add3A_253 = arith.addi %mul3A_2, %mul3A_252 : i32
      %dma_start3A_254 = arith.constant 0 : i32
      %dma_start3A_255 = tpu.memref_slice %arg4[%add3A_253, %dma_start3A_254] : memref<32768x1024xf32, #tpu.memory_space<hbm>> -> memref<8x1024xf32, #tpu.memory_space<hbm>>
      %dma_start3A_256 = arith.constant 0 : i32
      %dma_start3A_257 = tpu.memref_slice %arg4[%add3A_253, %dma_start3A_256] : memref<32768x1024xf32, #tpu.memory_space<hbm>> -> memref<8x1024xf32, #tpu.memory_space<hbm>>
      tpu.enqueue_dma source(%arg13 : memref<8x1024xf32, #tpu.memory_space<vmem>>) target(%dma_start3A_257 : memref<8x1024xf32, #tpu.memory_space<hbm>>) target_semaphore(%arg29 : memref<!tpu.dma_semaphore, #tpu.memory_space<semaphore_mem>>)
      %ge3A_258 = arith.constant 4 : i32
      %ge3A_259 = arith.cmpi sge, %add3A_244, %ge3A_258 : i32
      %convert_element_type3A_260 = arith.extui %ge3A_259 : i1 to i32
      %cond3A_261 = arith.constant 0 : i32
      %cond3A_262 = arith.cmpi ne, %convert_element_type3A_260, %cond3A_261 : i32
      scf.if %cond3A_262 {
        %dma_wait3A_270 = arith.constant 0 : i32
        %dma_wait3A_271 = tpu.memref_slice %arg4[%mul3A_2, %dma_wait3A_270] : memref<32768x1024xf32, #tpu.memory_space<hbm>> -> memref<8x1024xf32, #tpu.memory_space<hbm>>
        %dma_wait3A_272 = arith.constant 0 : i32
        %dma_wait3A_273 = tpu.memref_slice %arg4[%mul3A_2, %dma_wait3A_272] : memref<32768x1024xf32, #tpu.memory_space<hbm>> -> memref<8x1024xf32, #tpu.memory_space<hbm>>
        tpu.wait_dma2 semaphore(%arg25 : memref<!tpu.dma_semaphore, #tpu.memory_space<semaphore_mem>>) src(%arg9 : memref<8x1024xf32, #tpu.memory_space<vmem>>) dst(%dma_wait3A_273 : memref<8x1024xf32, #tpu.memory_space<hbm>>)
      } else {
      }
      %add3A_263 = arith.constant 4 : i32
      %add3A_264 = arith.addi %add3A_244, %add3A_263 : i32
      %lt3A_265 = arith.constant 128 : i32
      %lt3A_266 = arith.cmpi slt, %add3A_264, %lt3A_265 : i32
      %convert_element_type3A_267 = arith.extui %lt3A_266 : i1 to i32
      %cond3A_268 = arith.constant 0 : i32
      %cond3A_269 = arith.cmpi ne, %convert_element_type3A_267, %cond3A_268 : i32
      scf.if %cond3A_269 {
        %add3A_270 = arith.constant 4 : i32
        %add3A_271 = arith.addi %add3A_244, %add3A_270 : i32
        %mul3A_272 = arith.constant 8 : i32
        %mul3A_273 = arith.muli %add3A_271, %mul3A_272 : i32
        %dma_start3A_274 = tpu.memref_slice %arg5[%mul3A_273] : memref<1024xi32, #tpu.memory_space<vmem>> -> memref<8xi32, #tpu.memory_space<vmem>>
        %dma_start3A_275 = arith.constant 0 : i32
        %dma_start3A_276 = arith.constant 0 : i32
        %dma_start3A_277 = tpu.memref_slice %arg3[%dma_start3A_275, %dma_start3A_276] : memref<8192x1024xf32, #tpu.memory_space<hbm>> -> memref<8192x1024xf32, #tpu.memory_space<hbm>>
        tpu.enqueue_indirect_dma source(%dma_start3A_277 : memref<8192x1024xf32, #tpu.memory_space<hbm>>) target(%arg9 : memref<8x1024xf32, #tpu.memory_space<vmem>>) offsets(%dma_start3A_274 : memref<8xi32, #tpu.memory_space<vmem>>) semaphore(%arg17 : memref<!tpu.dma_semaphore, #tpu.memory_space<semaphore_mem>>)
      } else {
      }
    }
    %scan3A_25 = arith.constant 16 : i32
    %dma_wait3A = arith.constant 0 : i32
    %dma_wait3A_26 = tpu.memref_slice %arg4[%mul3A_2, %dma_wait3A] : memref<32768x1024xf32, #tpu.memory_space<hbm>> -> memref<8x1024xf32, #tpu.memory_space<hbm>>
    %dma_wait3A_27 = arith.constant 0 : i32
    %dma_wait3A_28 = tpu.memref_slice %arg4[%mul3A_2, %dma_wait3A_27] : memref<32768x1024xf32, #tpu.memory_space<hbm>> -> memref<8x1024xf32, #tpu.memory_space<hbm>>
    tpu.wait_dma2 semaphore(%arg26 : memref<!tpu.dma_semaphore, #tpu.memory_space<semaphore_mem>>) src(%arg10 : memref<8x1024xf32, #tpu.memory_space<vmem>>) dst(%dma_wait3A_28 : memref<8x1024xf32, #tpu.memory_space<hbm>>)
    %dma_wait3A_29 = arith.constant 0 : i32
    %dma_wait3A_30 = tpu.memref_slice %arg4[%mul3A_2, %dma_wait3A_29] : memref<32768x1024xf32, #tpu.memory_space<hbm>> -> memref<8x1024xf32, #tpu.memory_space<hbm>>
    %dma_wait3A_31 = arith.constant 0 : i32
    %dma_wait3A_32 = tpu.memref_slice %arg4[%mul3A_2, %dma_wait3A_31] : memref<32768x1024xf32, #tpu.memory_space<hbm>> -> memref<8x1024xf32, #tpu.memory_space<hbm>>
    tpu.wait_dma2 semaphore(%arg27 : memref<!tpu.dma_semaphore, #tpu.memory_space<semaphore_mem>>) src(%arg11 : memref<8x1024xf32, #tpu.memory_space<vmem>>) dst(%dma_wait3A_32 : memref<8x1024xf32, #tpu.memory_space<hbm>>)
    %dma_wait3A_33 = arith.constant 0 : i32
    %dma_wait3A_34 = tpu.memref_slice %arg4[%mul3A_2, %dma_wait3A_33] : memref<32768x1024xf32, #tpu.memory_space<hbm>> -> memref<8x1024xf32, #tpu.memory_space<hbm>>
    %dma_wait3A_35 = arith.constant 0 : i32
    %dma_wait3A_36 = tpu.memref_slice %arg4[%mul3A_2, %dma_wait3A_35] : memref<32768x1024xf32, #tpu.memory_space<hbm>> -> memref<8x1024xf32, #tpu.memory_space<hbm>>
    tpu.wait_dma2 semaphore(%arg28 : memref<!tpu.dma_semaphore, #tpu.memory_space<semaphore_mem>>) src(%arg12 : memref<8x1024xf32, #tpu.memory_space<vmem>>) dst(%dma_wait3A_36 : memref<8x1024xf32, #tpu.memory_space<hbm>>)
    %dma_wait3A_37 = arith.constant 0 : i32
    %dma_wait3A_38 = tpu.memref_slice %arg4[%mul3A_2, %dma_wait3A_37] : memref<32768x1024xf32, #tpu.memory_space<hbm>> -> memref<8x1024xf32, #tpu.memory_space<hbm>>
    %dma_wait3A_39 = arith.constant 0 : i32
    %dma_wait3A_40 = tpu.memref_slice %arg4[%mul3A_2, %dma_wait3A_39] : memref<32768x1024xf32, #tpu.memory_space<hbm>> -> memref<8x1024xf32, #tpu.memory_space<hbm>>
    tpu.wait_dma2 semaphore(%arg29 : memref<!tpu.dma_semaphore, #tpu.memory_space<semaphore_mem>>) src(%arg13 : memref<8x1024xf32, #tpu.memory_space<vmem>>) dst(%dma_wait3A_40 : memref<8x1024xf32, #tpu.memory_space<hbm>>)
    return
  }
}

</mosaic_0001>

<sc_bundles>
// kernel: _pe_lookup.3.cloned.1.call-start
scs
__scs_entry_jumppad:
0x0: {  	(pc) =	sbr.rel $0x88, $3  }
0x1: {  	(tag) =	ssettag $0x0;
	lr =	simm.s32 $0x1  }
0x2: {  	[smem:$0x3F9F] =	sst lr;
	_ =	strace $0xD0000000  }
0x3: {  	_ = 	snop  }
0x4: {  	_ = 	snop  }
0x5: {  	_ = 	snop  }
0x6: {  	_ = 	snop  }
0x7: {  	_ = 	snop  }
__scs_overlays_trampoline_lowered:
0x8: {  	[smem:$0x3FAE] =	sst s0  }
0x9: {  	[smem:$0x3FAF] =	sst s1  }
0xa: {  	[smem:$0x3FB0] =	sst s2  }
0xb: {  	[smem:$0x3FB1] =	sst s3  }
0xc: {  	[smem:$0x3FB2] =	sst s4  }
0xd: {  	[smem:$0x3FB3] =	sst s5  }
0xe: {  	[smem:$0x3FB4] =	sst s6  }
0xf: {  	[smem:$0x3FB5] =	sst s7  }
0x10: {  	[smem:$0x3FB6] =	sst s8  }
0x11: {  	[smem:$0x3FB7] =	sst s9;
	s0 =	simm.s32 @!p0 $0x0  }
0x12: {  	s1 =	sld [smem:$0x3F9D];
	s0 =	simm.s32 @p0 $0x1  }
0x13: {  	[smem:$0x3FB8] =	sst s0;
	s0 =	simm.s32 @!p1 $0x0  }
0x14: {  	s2 =	sld [smem:$0x3F9C];
	s0 =	simm.s32 @p1 $0x1  }
0x15: {  	[smem:$0x3FB9] =	sst s0;
	s0 =	simm.s32 @!p2 $0x0  }
0x16: {  	s3 =	sld [smem:$0x3FDB];
	s0 =	simm.s32 @p2 $0x1  }
0x17: {  	s4 =	simm.s32 $0x1BF5;
	[smem:$0x3FBB] =	sst s0  }
0x18: {  	s0 =	sld [smem:$0x3F9E];
	_ =	swait.ge [sflag:s4], $0x0  }
0x19: {  	s7 =	sld [smem:$0x3F9F]  }
0x1a: {  	s8 =	sadd.s32 $0xFFFFE003, lr  }
0x1b: {  	s9 =	sadd.s32 $0xFFFFFEF7, lr;
	s5 =	simm.s32 $0xFFFFFFFF;
	p2 =	slt.u32 s8, $0xFFFFF086  }
0x1c: {  	p1 =	slt.u32 s9, $0xF7A;
	s5 =	simm.s32 @!p2 $0x0  }
0x1d: {  	s5 =	simm.s32 @p1 $0x1;
	p0 =	seq.s32 s7, s2  }
0x1e: {  	s7 =	smul.u32 @!p0 $0xF7A, s2;
	p2 =	seq.s32 @!p0 s5, $0x0  }
0x1f: {  	s9 =	smul.u32 $0xF7A, s1;
	s8 =	simm.s32 @!p0 $0x1BF5;
	p2 =	por !p2, p0  }
0x20: {  	[sflag:s8] =	ssyncset.s32 @!p0 $0xFFFFF086;
	s6 =	sadd.s32 @!p0 s3, s7;
	s7 =	simm.s32 @!p0 $0x108  }
0x21: {  	s3 =	sadd.s32 s3, s9;
	s6 =	sadd.s32 @!p0 $0x88, s6;
	s7 =	simm.s32 @p2 $0x1082  }
0x22: {  	[simem:s7], [sflag:s8] =	dma.local @!p0 [hbm:s6], $0xF7A  }
0x23: {  	s9 =	sor.u32 $0xD0000000, s2;
	s6 =	simm.s32 $0x108;
	_ =	swait.ge @!p0 [sflag:s8], $0x0  }
0x24: {  	s3 =	sadd.s32 $0x88, s3;
	s6 =	simm.s32 @!p1 $0x1082;
	[sflag:s4] =	ssyncset.s32 $0xFFFFF086  }
0x25: {  	[simem:s6], [sflag:s4] =	dma.local [hbm:s3], $0xF7A  }
0x26: {  	[smem:$0x3F9F] =	sst s1;
	(tag) =	ssettag s2;
	_ =	strace s9  }
0x27: {  	s1 =	sld [smem:$0x3FAF]  }
0x28: {  	s2 =	sld [smem:$0x3FB0]  }
0x29: {  	s4 =	sld [smem:$0x3FB2]  }
0x2a: {  	p0 =	seq.s32 s5, $0x0;
	s5 =	sld [smem:$0x3FB3]  }
0x2b: {  	s6 =	sld [smem:$0x3FB4]  }
0x2c: {  	s7 =	sld [smem:$0x3FB5]  }
0x2d: {  	s3 =	simm.s32 $0x108;
	s8 =	sld [smem:$0x3FB6]  }
0x2e: {  	s3 =	simm.s32 @!p0 $0x1082;
	s9 =	sld [smem:$0x3FB7]  }
0x2f: {  	lr =	sadd.s32 s0, s3;
	s0 =	sld [smem:$0x3FAE]  }
0x30: {  	s3 =	sld [smem:$0x3FB1]  }
0x31: {  	[smem:$0x3FBA] =	sst s10  }
0x32: {  	s10 =	sld [smem:$0x3FB8];
	_ =	sdelay $0x3  }
0x33: {  	p0 =	seq.s32 s10, $0x1;
	s10 =	sld [smem:$0x3FBA];
	_ =	sdelay $0x3  }
0x34: {  	[smem:$0x3FBA] =	sst s10  }
0x35: {  	s10 =	sld [smem:$0x3FB9];
	_ =	sdelay $0x3  }
0x36: {  	p1 =	seq.s32 s10, $0x1;
	s10 =	sld [smem:$0x3FBA];
	_ =	sdelay $0x3  }
0x37: {  	[smem:$0x3FBA] =	sst s10  }
0x38: {  	s10 =	sld [smem:$0x3FBB]  }
0x39: {  	_ = 	snop;
	(pc) =	sbr.ind lr, $3  }
0x3a: {  	_ = 	snop  }
0x3b: {  	_ = 	snop  }
0x3c: {  	p2 =	seq.s32 s10, $0x1;
	s10 =	sld [smem:$0x3FBA]  }
0x3d: {  	_ =	shalt  }
0x3e: {  	_ =	shalt  }
0x3f: {  	_ =	shalt  }
0x40: {  	_ =	shalt  }
0x41: {  	_ =	shalt  }
0x42: {  	_ =	shalt  }
0x43: {  	_ =	shalt  }
0x44: {  	_ =	shalt  }
0x45: {  	_ =	shalt  }
0x46: {  	_ =	shalt  }
0x47: {  	_ =	shalt  }
0x48: {  	_ =	shalt  }
0x49: {  	_ =	shalt  }
0x4a: {  	_ =	shalt  }
0x4b: {  	_ =	shalt  }
0x4c: {  	_ =	shalt  }
0x4d: {  	_ =	shalt  }
0x4e: {  	_ =	shalt  }
0x4f: {  	_ =	shalt  }
0x50: {  	_ =	shalt  }
0x51: {  	_ =	shalt  }
0x52: {  	_ =	shalt  }
0x53: {  	_ =	shalt  }
0x54: {  	_ =	shalt  }
0x55: {  	_ =	shalt  }
0x56: {  	_ =	shalt  }
0x57: {  	_ =	shalt  }
0x58: {  	_ =	shalt  }
0x59: {  	_ =	shalt  }
0x5a: {  	_ =	shalt  }
0x5b: {  	_ =	shalt  }
0x5c: {  	_ =	shalt  }
0x5d: {  	_ =	shalt  }
0x5e: {  	_ =	shalt  }
0x5f: {  	_ =	shalt  }
0x60: {  	_ =	shalt  }
0x61: {  	_ =	shalt  }
0x62: {  	_ =	shalt  }
0x63: {  	_ =	shalt  }
0x64: {  	_ =	shalt  }
0x65: {  	_ =	shalt  }
0x66: {  	_ =	shalt  }
0x67: {  	_ =	shalt  }
0x68: {  	_ =	shalt  }
0x69: {  	_ =	shalt  }
0x6a: {  	_ =	shalt  }
0x6b: {  	_ =	shalt  }
0x6c: {  	_ =	shalt  }
0x6d: {  	_ =	shalt  }
0x6e: {  	_ =	shalt  }
0x6f: {  	_ =	shalt  }
0x70: {  	_ =	shalt  }
0x71: {  	_ =	shalt  }
0x72: {  	_ =	shalt  }
0x73: {  	_ =	shalt  }
0x74: {  	_ =	shalt  }
0x75: {  	_ =	shalt  }
0x76: {  	_ =	shalt  }
0x77: {  	_ =	shalt  }
0x78: {  	_ =	shalt  }
0x79: {  	_ =	shalt  }
0x7a: {  	_ =	shalt  }
0x7b: {  	_ =	shalt  }
0x7c: {  	_ =	shalt  }
0x7d: {  	_ =	shalt  }
0x7e: {  	_ =	shalt  }
0x7f: {  	_ =	shalt  }
0x80: {  	_ =	shalt  }
0x81: {  	_ =	shalt  }
0x82: {  	_ =	shalt  }
0x83: {  	_ =	shalt  }
0x84: {  	_ =	shalt  }
0x85: {  	_ =	shalt  }
0x86: {  	_ =	shalt  }
0x87: {  	_ =	shalt  }
.Lfunc_end0:
.L_simem_size_0:
called_computation_lowered:
.L_overlay_start_0:
0x88: {  	s2 =	sld [smem:$0x3FD9]  }
0x89: {  	s3 =	sld [smem:$0x3FFE];
	_ =	sdelay $0x1  }
0x8a: {  	s1 =	srdreg.scid  }
0x8b: {  	s0 =	sand.u32 $0x1, s1  }
0x8c: {  	s18 =	sshll.u32 s0, $0xA;
	s2 =	sadd.s32 s3, s2  }
0x8d: {  	s2 =	sadd.s32 s2, s18  }
0x8e: {  	[smem:$0x3FC6] =	sst s2  }
0x8f: {  	_ = 	snop  }
0x90: {  	s2 =	sld [smem:$0x3FC9]  }
0x91: {  	s19 =	sld [smem:$0x3FC8]  }
0x92: {  	s4 =	sld [smem:$0x3FD0];
	(tm) =	ssettm $0x1  }
0x93: {  	s5 =	sld [smem:$0x3FFB];
	_ =	sdelay $0x3  }
0x94: {  	_ =	strace s5  }
0x95: {  	s5 =	sld [smem:$0x3FFC];
	_ =	sdelay $0x3  }
0x96: {  	_ =	strace s5  }
0x97: {  	s5 =	sld [smem:$0x3FFD];
	_ =	sdelay $0x3  }
0x98: {  	_ =	strace s5  }
0x99: {  	_ =	strace $0x8FFFFFFF  }
0x9a: {  	s20 =	sld [smem:$0x3FDB];
	_ =	sdelay $0x1  }
0x9b: {  	s6 =	simm.s32 $_scs_section_size  }
0x9c: {  	s7 =	simm.s32 $_size__tile_overlayer_lowered;
	s8 =	simm.s32 $_tile_overlayer_lowered  }
0x9d: {  	s23 =	simm.s32 $0x1BFF;
	s22 =	sshll.u32 s8, $0x1;
	s5 =	sadd.s32 s6, s20  }
0x9e: {  	s9 =	simm.s32 $0x0;
	s21 =	sshll.u32 s7, $0x1;
	s7 =	sadd.s32 s22, s5  }
0x9f: {  	[timem:s9], [sflag:s23] =	dma.local [hbm:s7], s21  }
0xa0: {  	_ =	swait.ge [sflag:s23], s21  }
0xa1: {  	s6 =	ssub.s32 $0x0, s21;
	[sflag:s23] =	ssyncset.done $0x0  }
0xa2: {  	[sflag:s23] =	ssyncadd.s32 s6;
	_ =	sdelay $0x1  }
0xa3: {  	s24 =	simm.s32 $0x1B8B  }
0xa4: {  	_ =	swait.ge [sflag:s24], $0x1  }
0xa5: {  	[sflag:s24] =	ssyncset.done $0x0  }
0xa6: {  	s25 =	simm.s32 $0x1B8E;
	[sflag:s24] =	ssyncadd.s32 $0xFFFFFFFF  }
0xa7: {  	s26 =	simm.s32 $execute0_lowered;
	[smem:$0x3FD2] =	sst s25  }
0xa8: {  	s6 =	sshll.u32 s26, $0x1;
	_ =	strace $0x80000046;
	[dreg:$0x1] =	wrdreg $0xFFFFFFFF  }
0xa9: {  	s28 =	simm.s32 $_size_execute0_lowered;
	s5 =	sadd.s32 s5, s6;
	[dreg:$0x0] =	wrdreg $0x0  }
0xaa: {  	s6 =	sshll.u32 s28, $0x1;
	[dreg:$0x2] =	wrdreg s5  }
0xab: {  	[dreg:$0x3] =	wrdreg s6  }
0xac: {  	[dreg:$0x4] =	wrdreg $0xC0  }
0xad: {  	_ =	task [dreg:s9], $0x5FFFF  }
0xae: {  	[dreg:$0x1] =	wrdreg $0xFFFFFFFF  }
0xaf: {  	[dreg:$0x0] =	wrdreg $0x60  }
0xb0: {  	[dreg:$0x2] =	wrdreg s2  }
0xb1: {  	[dreg:$0x3] =	wrdreg s19  }
0xb2: {  	[dreg:$0x4] =	wrdreg s4  }
0xb3: {  	[dreg:$0x5] =	wrdreg $0x9  }
0xb4: {  	_ =	task.clear_ibuf [dreg:s9], $0x6FFFF;
	_ =	strace $0x90000046  }
0xb5: {  	s29 =	simm.s32 $0x9;
	_ =	strace $0x80000048  }
0xb6: {  	_ =	swait.ge [sflag:s29], $0x1  }
0xb7: {  	[sflag:s29] =	ssyncadd.s32 $0xFFFFFFFF  }
0xb8: {  	_ =	strace $0x90000048  }
0xb9: {  	_ =	sfence  }
0xba: {  	s30 =	sld [smem:$0x0];
	_ =	sdelay $0x2  }
0xbb: {  	s31 =	sshll.u32 s1, $0xD;
	s1 =	sshrl.u32 s1, $0x2  }
0xbc: {  	s3 =	sand.u32 $0x4000, s31;
	s1 =	sadd.s32 s1, s30  }
0xbd: {  	s0 =	sor.u32 s3, s0;
	s1 =	sshll.u32 s1, $0x11  }
0xbe: {  	s0 =	sor.u32 s1, s0  }
0xbf: {  	s0 =	sadd.s32 $0x8F2B, s0  }
0xc0: {  	[sflag:s0] =	ssyncadd.remote.s32 $0x1  }
0xc1: {  	_ =	sfence.sel $0xFFFF  }
0xc2: {  	[dreg:$0x0] =	wrdreg $0xFFFFFFFF;
	(pc) =	sbr.abs _section_cstart, $3  }
0xc3: {  	[dreg:$0x1] =	wrdreg $0xFFFFFFFF  }
0xc4: {  	_ =	task.clear_ibuf [dreg:s9], $0x2FFFF;
	_ =	strace $0x9FFFFFFF  }
0xc5: {  	(tm) =	ssettm $0x7FFFFFFF  }
tec
execute0_lowered:
.L_overlay_start_1:
0x0: {  	(tag) =	ssettag $0x1  }
0x1: {  	s0 =	rddreg [dreg:$0x0]  }
0x2: {  	s2 =	rddreg [dreg:$0x1]  }
0x3: {  	s1 =	rddreg [dreg:$0x2];
	s3 =	srdreg.scid  }
0x4: {  	s9 =	stileid.u32;
	s23 =	simm.s32 $0x6400;
	s28 =	simm.s32 $0x1  }
0x5: {  	s29 =	simm.s32 $0x8400;
	s12 =	simm.s32 $0xA400;
	s17 =	simm.s32 $0x3  }
0x6: {  	s18 =	simm.s32 $0xC400;
	s10 =	simm.s32 $0xEC00;
	s11 =	simm.s32 $0xF400  }
0x7: {  	s15 =	simm.s32 $0x5;
	s19 =	simm.s32 $0xA;
	s30 =	simm.s32 $0x7  }
0x8: {  	s31 =	simm.s32 $0xB;
	s13 =	simm.s32 $0xC;
	s20 =	simm.s32 $0x0  }
0x9: {  	s4 =	sand.u32 $0x1, s3;
	s3 =	simm.s32 $0x0;
	s5 =	sshll.u32 s9, $0xB  }
0xa: {  	s25 =	sshll.u32 s9, $0x12;
	s6 =	sshll.u32 s4, $0xA;
	[smem:$0x7FF] =	sst s3  }
0xb: {  	s7 =	ssub.s32 $0x2, s4;
	s26 =	sshll.u32 s4, $0x11;
	s4 =	simm.s32 $0x4  }
0xc: {  	s5 =	sor.u32 s6, s5;
	_ =	strace $0x80000047;
	s24 =	sshrl.u32 s7, $0x1  }
0xd: {  	s6 =	sadd.s32 $0x200, s2;
	s5 =	sshrl.u32 s5, $0x3;
	s8 =	ssub.s32 s7, s24  }
.Ltmp0:
0xe: {  	s7 =	sadd.s32 $0x300, s2;
	s0 =	sadd.s32 s0, s5;
	(pc) =	sbr.rel .LBB2_1-.Ltmp0, $4  }
0xf: {  	s24 =	simm.s32 $0xFC00;
	s8 =	smax.u32 s8, $0x1;
	[dreg:$0x4] =	wrdreg s0  }
0x10: {  	v0 =	vlaneseq.u32;
	s5 =	sadd.s32 $0x100, s2;
	[dreg:$0x5] =	wrdreg s8;
	s0 =	sadd.s32 s25, s1  }
0x11: {  	v1 =	vshrl.u32 v0, $0x3;
	s1 =	simm.s32 $0x2;
	s8 =	simm.s32 $0xE400;
	s25 =	simm.s32 $0x9  }
0x12: {  	vm0 =	vmmov $0xffff;
	v0 =	vand.u32 $0x7, v0;
	v1 =	vmul.u32 $0x8, v1;
	s9 =	sadd.s32 s26, s0;
	s26 =	simm.s32 $0x6;
	s0 =	simm.s32 $0x8  }
.LBB2_4:
0x13: {  	s14 =	simm.s32 $0xD  }
0x14: {  	_ =	swait.ge [sflag:s14], $0x2000  }
0x15: {  	[sflag:s14] =	ssyncset.done $0x0  }
0x16: {  	s20 =	simm.s32 $0xE;
	[sflag:s14] =	ssyncadd.s32 $0xFFFFE000  }
0x17: {  	_ =	swait.ge [sflag:s20], $0x2000  }
0x18: {  	[sflag:s20] =	ssyncset.done $0x0  }
0x19: {  	s21 =	simm.s32 $0xF;
	[sflag:s20] =	ssyncadd.s32 $0xFFFFE000  }
0x1a: {  	_ =	swait.ge [sflag:s21], $0x2000  }
0x1b: {  	[sflag:s21] =	ssyncset.done $0x0  }
0x1c: {  	s16 =	simm.s32 $0x10;
	[sflag:s21] =	ssyncadd.s32 $0xFFFFE000  }
0x1d: {  	_ =	swait.ge [sflag:s16], $0x2000  }
0x1e: {  	s20 =	rddreg [dreg:$0x6]  }
0x1f: {  	s22 =	rddreg [dreg:$0x5];
	s20 =	sadd.s32 $0x1, s20  }
0x20: {  	p0 =	sne.s32 s20, s22  }
.Ltmp1:
0x21: {  	_ = 	snop;
	(pc) =	sbr.rel @!p0 .LBB2_5-.Ltmp1, $3  }
0x22: {  	_ =	sdelay $0x1  }
0x23: {  	[sflag:s16] =	ssyncset.done $0x0  }
0x24: {  	[sflag:s16] =	ssyncadd.s32 $0xFFFFE000  }
.LBB2_1:
0x25: {  	[dreg:$0x6] =	wrdreg s20  }
0x26: {  	s14 =	rddreg [dreg:$0x4];
	s16 =	simm.s32 $0x11  }
0x27: {  	[tilespmem:s3], [sflag:$0x11] =	stream.linear.gather [hbm4b:s14+s3], $0x400, $0x38;
	[tilespmem:$0x10400] =	vst v63  }
0x28: {  	_ =	swait.ge [sflag:s16], $0x400  }
0x29: {  	[sflag:s16] =	ssyncset.done $0x0  }
0x2a: {  	[sflag:s16] =	ssyncadd.s32 $0xFFFFFC00  }
0x2b: {  	v2 =	vld.msk [tilespmem:$0x0], $0xff;
	_ =	sdelay $0x4  }
0x2c: {  	v3 =	vshll.u32 v2, $0x3  }
0x2d: {  	v2 =	vand.u32 $0x7, v2;
	v3 =	vand.u32 $0xFFFFFFC0, v3  }
0x2e: {  	v2 =	vor.u32 v2, v3  }
0x2f: {  	v2 =	vperm.xlane v2, v0;
	_ =	sdelay $0x1  }
0x30: {  	v2 =	vadd.s32 v1, v2;
	_ =	sdelay $0x3  }
0x31: {  	s20 =	simm.s32 $0x400  }
0x32: {  	[tilespmem:s20], [sflag:$0x1] =	stream.indirect_vreg.gather [hbm4b:s2+s3], $0x80, v2, vm0, $0xb8;
	[tilespmem:$0x10400] =	vst v63  }
0x33: {  	s21 =	simm.s32 $0xC00  }
0x34: {  	[tilespmem:s21], [sflag:$0x1] =	stream.indirect_vreg.gather [hbm4b:s5+s3], $0x80, v2, vm0, $0xb8;
	[tilespmem:$0x10400] =	vst v63  }
0x35: {  	s22 =	simm.s32 $0x1400  }
0x36: {  	[tilespmem:s22], [sflag:$0x1] =	stream.indirect_vreg.gather [hbm4b:s6+s3], $0x80, v2, vm0, $0xb8;
	[tilespmem:$0x10400] =	vst v63  }
0x37: {  	s16 =	simm.s32 $0x1C00  }
0x38: {  	[tilespmem:s16], [sflag:$0x1] =	stream.indirect_vreg.gather [hbm4b:s7+s3], $0x80, v2, vm0, $0xb8;
	[tilespmem:$0x10400] =	vst v63  }
0x39: {  	v2 =	vld.msk [tilespmem:$0x8], $0xff;
	_ =	sdelay $0x4  }
0x3a: {  	v3 =	vshll.u32 v2, $0x3  }
0x3b: {  	v2 =	vand.u32 $0x7, v2;
	v3 =	vand.u32 $0xFFFFFFC0, v3  }
0x3c: {  	v2 =	vor.u32 v2, v3  }
0x3d: {  	v2 =	vperm.xlane v2, v0;
	_ =	sdelay $0x1  }
0x3e: {  	v2 =	vadd.s32 v1, v2;
	_ =	sdelay $0x3  }
0x3f: {  	s20 =	simm.s32 $0x2400  }
0x40: {  	[tilespmem:s20], [sflag:$0x2] =	stream.indirect_vreg.gather [hbm4b:s2+s3], $0x80, v2, vm0, $0xb8;
	[tilespmem:$0x10400] =	vst v63  }
0x41: {  	s21 =	simm.s32 $0x2C00  }
0x42: {  	[tilespmem:s21], [sflag:$0x2] =	stream.indirect_vreg.gather [hbm4b:s5+s3], $0x80, v2, vm0, $0xb8;
	[tilespmem:$0x10400] =	vst v63  }
0x43: {  	s22 =	simm.s32 $0x3400  }
0x44: {  	[tilespmem:s22], [sflag:$0x2] =	stream.indirect_vreg.gather [hbm4b:s6+s3], $0x80, v2, vm0, $0xb8;
	[tilespmem:$0x10400] =	vst v63  }
0x45: {  	s16 =	simm.s32 $0x3C00  }
0x46: {  	[tilespmem:s16], [sflag:$0x2] =	stream.indirect_vreg.gather [hbm4b:s7+s3], $0x80, v2, vm0, $0xb8;
	[tilespmem:$0x10400] =	vst v63  }
0x47: {  	v2 =	vld.msk [tilespmem:$0x10], $0xff;
	_ =	sdelay $0x4  }
0x48: {  	v3 =	vshll.u32 v2, $0x3  }
0x49: {  	v2 =	vand.u32 $0x7, v2;
	v3 =	vand.u32 $0xFFFFFFC0, v3  }
0x4a: {  	v2 =	vor.u32 v2, v3  }
0x4b: {  	v2 =	vperm.xlane v2, v0;
	_ =	sdelay $0x1  }
0x4c: {  	v2 =	vadd.s32 v1, v2;
	_ =	sdelay $0x3  }
0x4d: {  	s20 =	simm.s32 $0x4400  }
0x4e: {  	[tilespmem:s20], [sflag:$0x3] =	stream.indirect_vreg.gather [hbm4b:s2+s3], $0x80, v2, vm0, $0xb8;
	[tilespmem:$0x10400] =	vst v63  }
0x4f: {  	s21 =	simm.s32 $0x4C00  }
0x50: {  	[tilespmem:s21], [sflag:$0x3] =	stream.indirect_vreg.gather [hbm4b:s5+s3], $0x80, v2, vm0, $0xb8;
	[tilespmem:$0x10400] =	vst v63  }
0x51: {  	s22 =	simm.s32 $0x5400  }
0x52: {  	[tilespmem:s22], [sflag:$0x3] =	stream.indirect_vreg.gather [hbm4b:s6+s3], $0x80, v2, vm0, $0xb8;
	[tilespmem:$0x10400] =	vst v63  }
0x53: {  	s16 =	simm.s32 $0x5C00  }
0x54: {  	[tilespmem:s16], [sflag:$0x3] =	stream.indirect_vreg.gather [hbm4b:s7+s3], $0x80, v2, vm0, $0xb8;
	[tilespmem:$0x10400] =	vst v63  }
0x55: {  	v2 =	vld.msk [tilespmem:$0x18], $0xff;
	_ =	sdelay $0x4  }
0x56: {  	v3 =	vshll.u32 v2, $0x3  }
0x57: {  	v2 =	vand.u32 $0x7, v2;
	v3 =	vand.u32 $0xFFFFFFC0, v3  }
0x58: {  	v2 =	vor.u32 v2, v3  }
0x59: {  	v2 =	vperm.xlane v2, v0;
	_ =	sdelay $0x1  }
0x5a: {  	v2 =	vadd.s32 v1, v2;
	_ =	sdelay $0x4  }
0x5b: {  	[tilespmem:s23], [sflag:$0x4] =	stream.indirect_vreg.gather [hbm4b:s2+s3], $0x80, v2, vm0, $0xb8;
	[tilespmem:$0x10400] =	vst v63  }
0x5c: {  	s20 =	simm.s32 $0x6C00  }
0x5d: {  	[tilespmem:s20], [sflag:$0x4] =	stream.indirect_vreg.gather [hbm4b:s5+s3], $0x80, v2, vm0, $0xb8;
	[tilespmem:$0x10400] =	vst v63  }
0x5e: {  	s21 =	simm.s32 $0x7400  }
0x5f: {  	[tilespmem:s21], [sflag:$0x4] =	stream.indirect_vreg.gather [hbm4b:s6+s3], $0x80, v2, vm0, $0xb8;
	[tilespmem:$0x10400] =	vst v63  }
0x60: {  	s14 =	simm.s32 $0x30;
	s22 =	simm.s32 $0x7C00;
	s16 =	simm.s32 $0x0  }
0x61: {  	[tilespmem:s22], [sflag:$0x4] =	stream.indirect_vreg.gather [hbm4b:s7+s3], $0x80, v2, vm0, $0xb8;
	[tilespmem:$0x10400] =	vst v63  }
.LBB2_2:
0x62: {  	_ =	swait.ge [sflag:s28], $0x2000  }
0x63: {  	s20 =	sadd.s32 s16, s9;
	[sflag:s28] =	ssyncset.done $0x0  }
0x64: {  	s21 =	simm.s32 $0x400;
	p0 =	seq.s32 s16, $0x0;
	[sflag:s28] =	ssyncadd.s32 $0xFFFFE000  }
0x65: {  	[hbm4b:s20+s3] =	stream.linear.scatter [tilespmem:s21], [sflag:$0x9], $0x2000, $0x38;
	[tilespmem:$0x10400] =	vst v63  }
0x66: {  	s21 =	simm.s32 @!p0 $0xD  }
0x67: {  	_ =	swait.ge @!p0 [sflag:s21], $0x2000  }
0x68: {  	[sflag:s21] =	ssyncset.done @!p0 $0x0  }
0x69: {  	[sflag:s21] =	ssyncadd.s32 @!p0 $0xFFFFE000  }
0x6a: {  	v2 =	vld.msk [tilespmem:s14+$0xFFFFFFF0], $0xff;
	_ =	sdelay $0x4  }
0x6b: {  	v3 =	vshll.u32 v2, $0x3  }
0x6c: {  	v2 =	vand.u32 $0x7, v2;
	v3 =	vand.u32 $0xFFFFFFC0, v3  }
0x6d: {  	v2 =	vor.u32 v2, v3  }
0x6e: {  	v2 =	vperm.xlane v2, v0;
	_ =	sdelay $0x1  }
0x6f: {  	v2 =	vadd.s32 v1, v2;
	_ =	sdelay $0x4  }
0x70: {  	[tilespmem:s29], [sflag:$0x5] =	stream.indirect_vreg.gather [hbm4b:s2+s3], $0x80, v2, vm0, $0xb8;
	[tilespmem:$0x10400] =	vst v63  }
0x71: {  	s22 =	simm.s32 $0x8C00  }
0x72: {  	[tilespmem:s22], [sflag:$0x5] =	stream.indirect_vreg.gather [hbm4b:s5+s3], $0x80, v2, vm0, $0xb8;
	[tilespmem:$0x10400] =	vst v63  }
0x73: {  	s22 =	simm.s32 $0x9400  }
0x74: {  	[tilespmem:s22], [sflag:$0x5] =	stream.indirect_vreg.gather [hbm4b:s6+s3], $0x80, v2, vm0, $0xb8;
	[tilespmem:$0x10400] =	vst v63  }
0x75: {  	s22 =	simm.s32 $0x9C00  }
0x76: {  	[tilespmem:s22], [sflag:$0x5] =	stream.indirect_vreg.gather [hbm4b:s7+s3], $0x80, v2, vm0, $0xb8;
	[tilespmem:$0x10400] =	vst v63  }
0x77: {  	_ =	swait.ge [sflag:s1], $0x2000  }
0x78: {  	[sflag:s1] =	ssyncset.done $0x0  }
0x79: {  	s21 =	sadd.s32 $0x400, s20;
	s22 =	simm.s32 $0x2400;
	[sflag:s1] =	ssyncadd.s32 $0xFFFFE000  }
0x7a: {  	[hbm4b:s21+s3] =	stream.linear.scatter [tilespmem:s22], [sflag:$0xA], $0x2000, $0x38;
	[tilespmem:$0x10400] =	vst v63  }
0x7b: {  	s21 =	simm.s32 @!p0 $0xE  }
0x7c: {  	_ =	swait.ge @!p0 [sflag:s21], $0x2000  }
0x7d: {  	[sflag:s21] =	ssyncset.done @!p0 $0x0  }
0x7e: {  	[sflag:s21] =	ssyncadd.s32 @!p0 $0xFFFFE000  }
0x7f: {  	v2 =	vld.msk [tilespmem:s14+$0xFFFFFFF8], $0xff;
	_ =	sdelay $0x4  }
0x80: {  	v3 =	vshll.u32 v2, $0x3  }
0x81: {  	v2 =	vand.u32 $0x7, v2;
	v3 =	vand.u32 $0xFFFFFFC0, v3  }
0x82: {  	v2 =	vor.u32 v2, v3  }
0x83: {  	v2 =	vperm.xlane v2, v0;
	_ =	sdelay $0x1  }
0x84: {  	v2 =	vadd.s32 v1, v2;
	_ =	sdelay $0x4  }
0x85: {  	[tilespmem:s12], [sflag:$0x6] =	stream.indirect_vreg.gather [hbm4b:s2+s3], $0x80, v2, vm0, $0xb8;
	[tilespmem:$0x10400] =	vst v63  }
0x86: {  	s22 =	simm.s32 $0xAC00  }
0x87: {  	[tilespmem:s22], [sflag:$0x6] =	stream.indirect_vreg.gather [hbm4b:s5+s3], $0x80, v2, vm0, $0xb8;
	[tilespmem:$0x10400] =	vst v63  }
0x88: {  	s22 =	simm.s32 $0xB400  }
0x89: {  	[tilespmem:s22], [sflag:$0x6] =	stream.indirect_vreg.gather [hbm4b:s6+s3], $0x80, v2, vm0, $0xb8;
	[tilespmem:$0x10400] =	vst v63  }
0x8a: {  	s22 =	simm.s32 $0xBC00  }
0x8b: {  	[tilespmem:s22], [sflag:$0x6] =	stream.indirect_vreg.gather [hbm4b:s7+s3], $0x80, v2, vm0, $0xb8;
	[tilespmem:$0x10400] =	vst v63  }
0x8c: {  	_ =	swait.ge [sflag:s17], $0x2000  }
0x8d: {  	[sflag:s17] =	ssyncset.done $0x0  }
0x8e: {  	s21 =	sadd.s32 $0x800, s20;
	s22 =	simm.s32 $0x4400;
	[sflag:s17] =	ssyncadd.s32 $0xFFFFE000  }
0x8f: {  	[hbm4b:s21+s3] =	stream.linear.scatter [tilespmem:s22], [sflag:$0xB], $0x2000, $0x38;
	[tilespmem:$0x10400] =	vst v63  }
0x90: {  	s21 =	simm.s32 @!p0 $0xF  }
0x91: {  	_ =	swait.ge @!p0 [sflag:s21], $0x2000  }
0x92: {  	[sflag:s21] =	ssyncset.done @!p0 $0x0  }
0x93: {  	[sflag:s21] =	ssyncadd.s32 @!p0 $0xFFFFE000  }
0x94: {  	v2 =	vld.msk [tilespmem:s14+$0x0], $0xff;
	_ =	sdelay $0x4  }
0x95: {  	v3 =	vshll.u32 v2, $0x3  }
0x96: {  	v2 =	vand.u32 $0x7, v2;
	v3 =	vand.u32 $0xFFFFFFC0, v3  }
0x97: {  	v2 =	vor.u32 v2, v3  }
0x98: {  	v2 =	vperm.xlane v2, v0;
	_ =	sdelay $0x1  }
0x99: {  	v2 =	vadd.s32 v1, v2;
	_ =	sdelay $0x4  }
0x9a: {  	[tilespmem:s18], [sflag:$0x7] =	stream.indirect_vreg.gather [hbm4b:s2+s3], $0x80, v2, vm0, $0xb8;
	[tilespmem:$0x10400] =	vst v63  }
0x9b: {  	s22 =	simm.s32 $0xCC00  }
0x9c: {  	[tilespmem:s22], [sflag:$0x7] =	stream.indirect_vreg.gather [hbm4b:s5+s3], $0x80, v2, vm0, $0xb8;
	[tilespmem:$0x10400] =	vst v63  }
0x9d: {  	s22 =	simm.s32 $0xD400  }
0x9e: {  	[tilespmem:s22], [sflag:$0x7] =	stream.indirect_vreg.gather [hbm4b:s6+s3], $0x80, v2, vm0, $0xb8;
	[tilespmem:$0x10400] =	vst v63  }
0x9f: {  	s22 =	simm.s32 $0xDC00  }
0xa0: {  	[tilespmem:s22], [sflag:$0x7] =	stream.indirect_vreg.gather [hbm4b:s7+s3], $0x80, v2, vm0, $0xb8;
	[tilespmem:$0x10400] =	vst v63  }
0xa1: {  	_ =	swait.ge [sflag:s4], $0x2000  }
0xa2: {  	[sflag:s4] =	ssyncset.done $0x0  }
0xa3: {  	s21 =	simm.s32 @!p0 $0x10;
	s22 =	sadd.s32 $0xC00, s20;
	[sflag:s4] =	ssyncadd.s32 $0xFFFFE000  }
0xa4: {  	[hbm4b:s22+s3] =	stream.linear.scatter [tilespmem:s23], [sflag:$0xC], $0x2000, $0x38;
	[tilespmem:$0x10400] =	vst v63  }
0xa5: {  	_ =	swait.ge @!p0 [sflag:s21], $0x2000  }
0xa6: {  	[sflag:s21] =	ssyncset.done @!p0 $0x0  }
0xa7: {  	[sflag:s21] =	ssyncadd.s32 @!p0 $0xFFFFE000  }
0xa8: {  	v2 =	vld.msk [tilespmem:s14+$0x8], $0xff;
	_ =	sdelay $0x4  }
0xa9: {  	v3 =	vshll.u32 v2, $0x3  }
0xaa: {  	v2 =	vand.u32 $0x7, v2;
	v3 =	vand.u32 $0xFFFFFFC0, v3  }
0xab: {  	v2 =	vor.u32 v2, v3  }
0xac: {  	v2 =	vperm.xlane v2, v0;
	_ =	sdelay $0x1  }
0xad: {  	v2 =	vadd.s32 v1, v2;
	_ =	sdelay $0x4  }
0xae: {  	[tilespmem:s8], [sflag:$0x8] =	stream.indirect_vreg.gather [hbm4b:s2+s3], $0x80, v2, vm0, $0xb8;
	[tilespmem:$0x10400] =	vst v63  }
0xaf: {  	_ = 	snop  }
0xb0: {  	[tilespmem:s10], [sflag:$0x8] =	stream.indirect_vreg.gather [hbm4b:s5+s3], $0x80, v2, vm0, $0xb8;
	[tilespmem:$0x10400] =	vst v63  }
0xb1: {  	_ = 	snop  }
0xb2: {  	[tilespmem:s11], [sflag:$0x8] =	stream.indirect_vreg.gather [hbm4b:s6+s3], $0x80, v2, vm0, $0xb8;
	[tilespmem:$0x10400] =	vst v63  }
0xb3: {  	_ = 	snop  }
0xb4: {  	[tilespmem:s24], [sflag:$0x8] =	stream.indirect_vreg.gather [hbm4b:s7+s3], $0x80, v2, vm0, $0xb8;
	[tilespmem:$0x10400] =	vst v63  }
0xb5: {  	_ =	swait.ge [sflag:s15], $0x2000  }
0xb6: {  	[sflag:s15] =	ssyncset.done $0x0  }
0xb7: {  	s22 =	sadd.s32 $0x1000, s20;
	[sflag:s15] =	ssyncadd.s32 $0xFFFFE000  }
0xb8: {  	[hbm4b:s22+s3] =	stream.linear.scatter [tilespmem:s29], [sflag:$0xD], $0x2000, $0x38;
	[tilespmem:$0x10400] =	vst v63  }
0xb9: {  	_ =	swait.ge [sflag:s25], $0x2000  }
0xba: {  	[sflag:s25] =	ssyncset.done $0x0  }
0xbb: {  	p0 =	seq.s32 s16, $0x1E000;
	[sflag:s25] =	ssyncadd.s32 $0xFFFFE000  }
0xbc: {  	v2 =	vld.msk @!p0 [tilespmem:s14+$0x10], $0xff;
	_ =	sdelay $0x4  }
0xbd: {  	v3 =	vshll.u32 @!p0 v2, $0x3  }
0xbe: {  	v4 =	vlaneseq.u32 @!p0;
	v2 =	vand.u32 @!p0 $0x7, v2;
	v3 =	vand.u32 @!p0 $0xFFFFFFC0, v3  }
0xbf: {  	v2 =	vor.u32 @!p0 v2, v3;
	v3 =	vand.u32 @!p0 $0x7, v4;
	v4 =	vshrl.u32 @!p0 v4, $0x3  }
0xc0: {  	v2 =	vperm.xlane @!p0 v2, v3;
	v4 =	vmul.u32 @!p0 $0x8, v4;
	_ =	sdelay $0x1  }
0xc1: {  	v2 =	vadd.s32 @!p0 v4, v2;
	_ =	sdelay $0x3  }
0xc2: {  	vm1 =	vmmov @!p0 $0xffff;
	s21 =	simm.s32 @!p0 $0x0;
	s22 =	simm.s32 @!p0 $0x400  }
0xc3: {  	[tilespmem:s22], [sflag:$0x1] =	stream.indirect_vreg.gather @!p0 [hbm4b:s2+s21], $0x80, v2, vm1, $0xb8;
	[tilespmem:$0x10400] =	vst v63  }
0xc4: {  	s22 =	simm.s32 @!p0 $0xC00  }
0xc5: {  	[tilespmem:s22], [sflag:$0x1] =	stream.indirect_vreg.gather @!p0 [hbm4b:s5+s21], $0x80, v2, vm1, $0xb8;
	[tilespmem:$0x10400] =	vst v63  }
0xc6: {  	s22 =	simm.s32 @!p0 $0x1400  }
0xc7: {  	[tilespmem:s22], [sflag:$0x1] =	stream.indirect_vreg.gather @!p0 [hbm4b:s6+s21], $0x80, v2, vm1, $0xb8;
	[tilespmem:$0x10400] =	vst v63  }
0xc8: {  	s22 =	simm.s32 @!p0 $0x1C00  }
0xc9: {  	[tilespmem:s22], [sflag:$0x1] =	stream.indirect_vreg.gather @!p0 [hbm4b:s7+s21], $0x80, v2, vm1, $0xb8;
	[tilespmem:$0x10400] =	vst v63  }
0xca: {  	_ =	swait.ge [sflag:s26], $0x2000  }
0xcb: {  	[sflag:s26] =	ssyncset.done $0x0  }
0xcc: {  	s22 =	sadd.s32 $0x1400, s20;
	[sflag:s26] =	ssyncadd.s32 $0xFFFFE000  }
0xcd: {  	[hbm4b:s22+s3] =	stream.linear.scatter [tilespmem:s12], [sflag:$0xE], $0x2000, $0x38;
	[tilespmem:$0x10400] =	vst v63  }
0xce: {  	_ =	swait.ge [sflag:s19], $0x2000  }
0xcf: {  	[sflag:s19] =	ssyncset.done $0x0  }
0xd0: {  	[sflag:s19] =	ssyncadd.s32 $0xFFFFE000  }
0xd1: {  	v2 =	vld.msk @!p0 [tilespmem:s14+$0x18], $0xff;
	_ =	sdelay $0x4  }
0xd2: {  	v5 =	vshll.u32 @!p0 v2, $0x3  }
0xd3: {  	v2 =	vand.u32 @!p0 $0x7, v2;
	v5 =	vand.u32 @!p0 $0xFFFFFFC0, v5  }
0xd4: {  	v2 =	vor.u32 @!p0 v2, v5  }
0xd5: {  	v2 =	vperm.xlane @!p0 v2, v3;
	_ =	sdelay $0x1  }
0xd6: {  	v2 =	vadd.s32 @!p0 v4, v2;
	_ =	sdelay $0x3  }
0xd7: {  	s22 =	simm.s32 @!p0 $0x2400  }
0xd8: {  	[tilespmem:s22], [sflag:$0x2] =	stream.indirect_vreg.gather @!p0 [hbm4b:s2+s21], $0x80, v2, vm1, $0xb8;
	[tilespmem:$0x10400] =	vst v63  }
0xd9: {  	s22 =	simm.s32 @!p0 $0x2C00  }
0xda: {  	[tilespmem:s22], [sflag:$0x2] =	stream.indirect_vreg.gather @!p0 [hbm4b:s5+s21], $0x80, v2, vm1, $0xb8;
	[tilespmem:$0x10400] =	vst v63  }
0xdb: {  	s22 =	simm.s32 @!p0 $0x3400  }
0xdc: {  	[tilespmem:s22], [sflag:$0x2] =	stream.indirect_vreg.gather @!p0 [hbm4b:s6+s21], $0x80, v2, vm1, $0xb8;
	[tilespmem:$0x10400] =	vst v63  }
0xdd: {  	s22 =	simm.s32 @!p0 $0x3C00  }
0xde: {  	[tilespmem:s22], [sflag:$0x2] =	stream.indirect_vreg.gather @!p0 [hbm4b:s7+s21], $0x80, v2, vm1, $0xb8;
	[tilespmem:$0x10400] =	vst v63  }
0xdf: {  	_ =	swait.ge [sflag:s30], $0x2000  }
0xe0: {  	[sflag:s30] =	ssyncset.done $0x0  }
0xe1: {  	s22 =	sadd.s32 $0x1800, s20;
	[sflag:s30] =	ssyncadd.s32 $0xFFFFE000  }
0xe2: {  	[hbm4b:s22+s3] =	stream.linear.scatter [tilespmem:s18], [sflag:$0xF], $0x2000, $0x38;
	[tilespmem:$0x10400] =	vst v63  }
0xe3: {  	_ =	swait.ge [sflag:s31], $0x2000  }
0xe4: {  	[sflag:s31] =	ssyncset.done $0x0  }
0xe5: {  	[sflag:s31] =	ssyncadd.s32 $0xFFFFE000  }
0xe6: {  	v2 =	vld.msk @!p0 [tilespmem:s14+$0x20], $0xff;
	_ =	sdelay $0x4  }
0xe7: {  	v5 =	vshll.u32 @!p0 v2, $0x3  }
0xe8: {  	v2 =	vand.u32 @!p0 $0x7, v2;
	v5 =	vand.u32 @!p0 $0xFFFFFFC0, v5  }
0xe9: {  	v2 =	vor.u32 @!p0 v2, v5  }
0xea: {  	v2 =	vperm.xlane @!p0 v2, v3;
	_ =	sdelay $0x1  }
0xeb: {  	v2 =	vadd.s32 @!p0 v4, v2;
	_ =	sdelay $0x3  }
0xec: {  	s22 =	simm.s32 @!p0 $0x4400  }
0xed: {  	[tilespmem:s22], [sflag:$0x3] =	stream.indirect_vreg.gather @!p0 [hbm4b:s2+s21], $0x80, v2, vm1, $0xb8;
	[tilespmem:$0x10400] =	vst v63  }
0xee: {  	s22 =	simm.s32 @!p0 $0x4C00  }
0xef: {  	[tilespmem:s22], [sflag:$0x3] =	stream.indirect_vreg.gather @!p0 [hbm4b:s5+s21], $0x80, v2, vm1, $0xb8;
	[tilespmem:$0x10400] =	vst v63  }
0xf0: {  	s22 =	simm.s32 @!p0 $0x5400  }
0xf1: {  	[tilespmem:s22], [sflag:$0x3] =	stream.indirect_vreg.gather @!p0 [hbm4b:s6+s21], $0x80, v2, vm1, $0xb8;
	[tilespmem:$0x10400] =	vst v63  }
0xf2: {  	s22 =	simm.s32 @!p0 $0x5C00  }
0xf3: {  	[tilespmem:s22], [sflag:$0x3] =	stream.indirect_vreg.gather @!p0 [hbm4b:s7+s21], $0x80, v2, vm1, $0xb8;
	[tilespmem:$0x10400] =	vst v63  }
0xf4: {  	_ =	swait.ge [sflag:s0], $0x2000  }
0xf5: {  	[sflag:s0] =	ssyncset.done $0x0  }
.Ltmp2:
0xf6: {  	s20 =	sadd.s32 $0x1C00, s20;
	[sflag:s0] =	ssyncadd.s32 $0xFFFFE000;
	(pc) =	sbr.rel @p0 .LBB2_4-.Ltmp2, $4  }
0xf7: {  	[hbm4b:s20+s3] =	stream.linear.scatter [tilespmem:s8], [sflag:$0x10], $0x2000, $0x38;
	[tilespmem:$0x10400] =	vst v63  }
0xf8: {  	_ =	swait.ge [sflag:s13], $0x2000  }
0xf9: {  	[sflag:s13] =	ssyncset.done $0x0  }
0xfa: {  	[sflag:s13] =	ssyncadd.s32 $0xFFFFE000  }
0xfb: {  	v2 =	vld.msk [tilespmem:s14+$0x28], $0xff;
	_ =	sdelay $0x4  }
0xfc: {  	v3 =	vshll.u32 v2, $0x3  }
0xfd: {  	v2 =	vand.u32 $0x7, v2;
	v3 =	vand.u32 $0xFFFFFFC0, v3  }
0xfe: {  	v2 =	vor.u32 v2, v3  }
0xff: {  	v2 =	vperm.xlane v2, v0;
	_ =	sdelay $0x1  }
0x100: {  	v2 =	vadd.s32 v1, v2;
	_ =	sdelay $0x4  }
0x101: {  	[tilespmem:s23], [sflag:$0x4] =	stream.indirect_vreg.gather [hbm4b:s2+s3], $0x80, v2, vm0, $0xb8;
	[tilespmem:$0x10400] =	vst v63  }
0x102: {  	s20 =	simm.s32 $0x6C00  }
0x103: {  	[tilespmem:s20], [sflag:$0x4] =	stream.indirect_vreg.gather [hbm4b:s5+s3], $0x80, v2, vm0, $0xb8;
	[tilespmem:$0x10400] =	vst v63  }
.Ltmp3:
0x104: {  	_ = 	snop;
	(pc) =	sbr.rel .LBB2_2-.Ltmp3, $4  }
0x105: {  	s21 =	simm.s32 $0x7400  }
0x106: {  	[tilespmem:s21], [sflag:$0x4] =	stream.indirect_vreg.gather [hbm4b:s6+s3], $0x80, v2, vm0, $0xb8;
	[tilespmem:$0x10400] =	vst v63  }
0x107: {  	s22 =	simm.s32 $0x7C00;
	s16 =	sadd.s32 $0x2000, s16;
	s14 =	sadd.s32 $0x40, s14  }
0x108: {  	[tilespmem:s22], [sflag:$0x4] =	stream.indirect_vreg.gather [hbm4b:s7+s3], $0x80, v2, vm0, $0xb8;
	[tilespmem:$0x10400] =	vst v63  }
.LBB2_5:
0x109: {  	_ =	sfence.sel $0x180000  }
0x10a: {  	[bflag:$0x0] =	sbarrier.arrive $0xFFFF  }
0x10b: {  	_ =	strace $0x90000047  }
0x10c: {  	s0 =	stileid.u32;
	[bflag:$0x2] =	sbarrier.arrive $0xFFFF  }
0x10d: {  	p0 =	sne.s32 s0, $0x0;
	s0 =	rddreg [dreg:$0x3]  }
0x10e: {  	s0 =	sadd.s32 @!p0 $0x100000, s0  }
0x10f: {  	[sflag:s0] =	ssyncadd.tile.s32 @!p0 $0x1;
	_ =	shalt  }
.Lfunc_end2:
_tile_overlayer_lowered:
.L_overlay_start_2:
0x110: {  	(tag) =	ssettag $0x2  }
0x111: {  	s0 =	rddreg [dreg:$0x0];
	s2 =	stileid.u32  }
0x112: {  	s1 =	rddreg [dreg:$0x1];
	p0 =	sne.s32 s2, $0x0  }
0x113: {  	s3 =	rddreg [dreg:$0x2];
	[bflag:$0x3] =	sbarrier.arrive $0xFFFF;
	s2 =	simm.s32 @!p0 $0x1C11  }
0x114: {  	[timem:s3], [sflag:s2] =	dma.local @!p0 [hbm:s0], s1  }
0x115: {  	s0 =	simm.s32 @!p0 $0x11  }
0x116: {  	_ =	swait.ge @!p0 [sflag:s0], s1  }
0x117: {  	s1 =	ssub.s32 @!p0 $0x0, s1;
	[sflag:s0] =	ssyncset.done @!p0 $0x0  }
0x118: {  	[sflag:s0] =	ssyncadd.s32 @!p0 s1  }
0x119: {  	[bflag:$0x3] =	sbarrier.arrive $0xFFFF  }
0x11a: {  	_ =	shalt  }

</sc_bundles>
